<compile_context>
chip_gen: v7x
topology: tpu7x:2x2x1
jax: 0.10.2.dev20260603
libtpu: 0.0.44.dev20260713+nightly
codegen_flags: <defaults>
</compile_context>

<pallas_src>
import functools

import jax
import jax.numpy as jnp
from jax import lax
from jax.experimental import pallas as pl
from jax.experimental.pallas import tpu as pltpu
from jax.experimental.pallas import tpu_sc as plsc

VOCAB = 1000
EMBED_DIM = 64
_PADDED = 128

_NC = 2
_NS = 16
_NW = _NC * _NS

_CHUNK = 128
_K = 5
_SLAB = _K * _CHUNK


def _make_gather(n_idx: int):
    per_w = n_idx // _NW
    chunks_per_w = per_w // _CHUNK
    steps = chunks_per_w // _K
    assert per_w * _NW == n_idx
    assert steps * _K == chunks_per_w and chunks_per_w * _CHUNK == per_w
    assert steps >= 2 and steps % 2 == 0

    mesh = plsc.VectorSubcoreMesh(core_axis_name="c", subcore_axis_name="s")

    @functools.partial(
        pl.kernel,
        mesh=mesh,
        out_type=jax.ShapeDtypeStruct((n_idx, _PADDED), jnp.float32),
        scratch_types=[
            pltpu.VMEM_SHARED((VOCAB, EMBED_DIM), jnp.float32),
            pltpu.VMEM((2 * _K, _CHUNK), jnp.int32),
            pltpu.VMEM((2 * _SLAB, EMBED_DIM), jnp.float32),
            pltpu.SemaphoreType.DMA,
            pltpu.SemaphoreType.DMA,
            pltpu.SemaphoreType.DMA,
            pltpu.SemaphoreType.DMA,
        ],
        compiler_params=pltpu.CompilerParams(use_tc_tiling_on_sc=False),
    )
    def k(table_hbm, idx_hbm, out_hbm, table_sh, idx_v, rows_v, gsem, wsem0,
          wsem1, psem):
        cid = lax.axis_index("c")
        sid = lax.axis_index("s")
        wid = sid * _NC + cid

        @pl.when(sid == 0)
        def _stage():
            pltpu.sync_copy(table_hbm, table_sh)

        plsc.subcore_barrier()

        def load_idx(g, slot):
            cb = jnp.minimum(wid * chunks_per_w + g * _K,
                             (wid + 1) * chunks_per_w - _K)
            pltpu.async_copy(
                idx_hbm.at[pl.ds(cb, _K)],
                idx_v.at[pl.ds(slot * _K, _K)],
                psem,
            )

        def wait_idx(slot):
            pltpu.make_async_copy(
                idx_hbm.at[pl.ds(0, _K)],
                idx_v.at[pl.ds(slot * _K, _K)],
                psem,
            ).wait()

        def do_step(g, slot):
            wsem = wsem0 if slot == 0 else wsem1
            cbase = wid * chunks_per_w + g * _K
            wait_idx(slot)
            load_idx(g + 1, 1 - slot)
            copies = [
                pltpu.async_copy(
                    table_sh.at[idx_v.at[slot * _K + j]],
                    rows_v.at[pl.ds((slot * _K + j) * _CHUNK, _CHUNK)],
                    gsem,
                )
                for j in range(_K)
            ]
            for c in copies:
                c.wait()
            pltpu.async_copy(
                rows_v.at[pl.ds(slot * _SLAB, _SLAB)],
                out_hbm.at[pl.ds(cbase * _CHUNK, _SLAB), pl.ds(0, EMBED_DIM)],
                wsem,
            )

        def drain_write(slot):
            wsem = wsem0 if slot == 0 else wsem1
            pltpu.make_async_copy(
                rows_v.at[pl.ds(slot * _SLAB, _SLAB)],
                out_hbm.at[pl.ds(0, _SLAB), pl.ds(0, EMBED_DIM)],
                wsem,
            ).wait()

        load_idx(0, 0)
        do_step(0, 0)
        do_step(1, 1)

        def body(t, carry):
            g = 2 * t + 2
            drain_write(0)
            do_step(g, 0)
            drain_write(1)
            do_step(g + 1, 1)
            return carry

        lax.fori_loop(0, (steps - 2) // 2, body, 0)

        wait_idx(0)
        drain_write(0)
        drain_write(1)

    return k


def kernel(xs, table):
    b, s = xs.shape
    n = b * s
    idx2d = xs.reshape(n // _CHUNK, _CHUNK).astype(jnp.int32)
    out = _make_gather(n)(table, idx2d)
    return out.reshape(b, s, _PADDED)[:, :, :EMBED_DIM]

# --- scband reference (transcript-rebuilt; emitter-appended) ---
"""Pipeline reference for scband-eembedding-generator-pos-91285234909928 (READ-ONLY COPY).

The authoritative reference and input builder live on the scoring server;
editing this copy changes nothing except your own understanding.
"""

import jax, jax.numpy as jnp
import numpy as np

VOCAB = 1000
EMBED_DIM = 64
PAD_IDX = 0
BATCH = 16384
SEQ = 200

def setup_inputs(seed: int = 0) -> dict:
    key = jax.random.key(seed)
    k1, k2 = jax.random.split(key)
    table = jax.random.normal(k1, (VOCAB, EMBED_DIM), dtype=jnp.float32)
    # nn.Embedding with padding_idx zeroes the pad row
    table = table.at[PAD_IDX].set(0.0)
    xs = jax.random.randint(k2, (BATCH, SEQ), 0, VOCAB, dtype=jnp.int64)
    return {"xs": xs, "table": table}

def reference(xs, table):
    # embedding lookup: gather rows of the table
    return jnp.take(table, xs, axis=0)

if __name__ == "__main__":
    import jax
    _d = setup_inputs()
    print(jax.jit(kernel)(*tuple(_d.values())))

</pallas_src>

<mosaic_0001>
#map = affine_map<(d0, d1) -> (0, 0)>
module attributes {stable_mosaic.version = 14 : i64} {
  func.func @k(%arg0: i32, %arg1: i32, %arg2: memref<1000x64xf32, #tpu.memory_space<hbm>>, %arg3: memref<25600x128xi32, #tpu.memory_space<hbm>>, %arg4: memref<3276800x128xf32, #tpu.memory_space<hbm>>, %arg5: memref<1000x64xf32, #tpu.memory_space<vmem_shared>>, %arg6: memref<10x128xi32, #tpu.memory_space<vmem>>, %arg7: memref<1280x64xf32, #tpu.memory_space<vmem>>, %arg8: memref<!tpu.dma_semaphore, #tpu.memory_space<semaphore_mem>>, %arg9: memref<!tpu.dma_semaphore, #tpu.memory_space<semaphore_mem>>, %arg10: memref<!tpu.dma_semaphore, #tpu.memory_space<semaphore_mem>>, %arg11: memref<!tpu.dma_semaphore, #tpu.memory_space<semaphore_mem>>) attributes {dimension_semantics = [#tpu.dimension_semantics<core_parallel>, #tpu.dimension_semantics<subcore_parallel>], iteration_bounds = array<i64: 2, 16>, scalar_prefetch = 0 : i64, scratch_operands = 7 : i64, tpu.core_type = #tpu.core_type<sc_vector_subcore>, window_params = [{transform_indices = #map}, {transform_indices = #map}, {transform_indices = #map}]} {
    %mul3A = arith.constant 2 : i32
    %mul3A_0 = arith.muli %arg1, %mul3A : i32
    %add3A = arith.addi %mul3A_0, %arg0 : i32
    %eq3A = arith.constant 0 : i32
    %eq3A_1 = arith.cmpi eq, %arg1, %eq3A : i32
    %convert_element_type3A = arith.extui %eq3A_1 : i1 to i32
    %cond3A = arith.constant 0 : i32
    %cond3A_2 = arith.cmpi ne, %convert_element_type3A, %cond3A : i32
    scf.if %cond3A_2 {
      "tpu.region"() ({
        %run_scoped3A = tpu.sem_alloc : memref<!tpu.dma_semaphore, #tpu.memory_space<semaphore_mem>>
        tpu.enqueue_dma source(%arg2 : memref<1000x64xf32, #tpu.memory_space<hbm>>) target(%arg5 : memref<1000x64xf32, #tpu.memory_space<vmem_shared>>) target_semaphore(%run_scoped3A : memref<!tpu.dma_semaphore, #tpu.memory_space<semaphore_mem>>)
        tpu.wait_dma2 semaphore(%run_scoped3A : memref<!tpu.dma_semaphore, #tpu.memory_space<semaphore_mem>>) src(%arg2 : memref<1000x64xf32, #tpu.memory_space<hbm>>) dst(%arg5 : memref<1000x64xf32, #tpu.memory_space<vmem_shared>>)
        tpu.yield
      }) : () -> ()
    } else {
    }
    %barrier3A = arith.constant 0 : index
    tpu.barrier barrier_id(%barrier3A)
    %mul3A_3 = arith.constant 800 : i32
    %mul3A_4 = arith.muli %add3A, %mul3A_3 : i32
    %add3A_5 = arith.constant 0 : i32
    %add3A_6 = arith.addi %mul3A_4, %add3A_5 : i32
    %add3A_7 = arith.constant 1 : i32
    %add3A_8 = arith.addi %add3A, %add3A_7 : i32
    %mul3A_9 = arith.constant 800 : i32
    %mul3A_10 = arith.muli %add3A_8, %mul3A_9 : i32
    %sub3A = arith.constant 5 : i32
    %sub3A_11 = arith.subi %mul3A_10, %sub3A : i32
    %min3A = arith.minsi %add3A_6, %sub3A_11 : i32
    %dma_start3A = arith.constant 0 : i32
    %dma_start3A_12 = arith.constant 0 : i32
    %dma_start3A_13 = tpu.memref_slice %arg6[%dma_start3A, %dma_start3A_12] : memref<10x128xi32, #tpu.memory_space<vmem>> -> memref<5x128xi32, #tpu.memory_space<vmem>>
    %dma_start3A_14 = arith.constant 0 : i32
    %dma_start3A_15 = tpu.memref_slice %arg3[%min3A, %dma_start3A_14] : memref<25600x128xi32, #tpu.memory_space<hbm>> -> memref<5x128xi32, #tpu.memory_space<hbm>>
    %dma_start3A_16 = arith.constant 0 : i32
    %dma_start3A_17 = arith.constant 0 : i32
    %dma_start3A_18 = tpu.memref_slice %arg6[%dma_start3A_16, %dma_start3A_17] : memref<10x128xi32, #tpu.memory_space<vmem>> -> memref<5x128xi32, #tpu.memory_space<vmem>>
    %dma_start3A_19 = arith.constant 0 : i32
    %dma_start3A_20 = tpu.memref_slice %arg3[%min3A, %dma_start3A_19] : memref<25600x128xi32, #tpu.memory_space<hbm>> -> memref<5x128xi32, #tpu.memory_space<hbm>>
    tpu.enqueue_dma source(%dma_start3A_20 : memref<5x128xi32, #tpu.memory_space<hbm>>) target(%dma_start3A_18 : memref<5x128xi32, #tpu.memory_space<vmem>>) target_semaphore(%arg11 : memref<!tpu.dma_semaphore, #tpu.memory_space<semaphore_mem>>)
    %mul3A_21 = arith.constant 800 : i32
    %mul3A_22 = arith.muli %add3A, %mul3A_21 : i32
    %add3A_23 = arith.constant 0 : i32
    %add3A_24 = arith.addi %mul3A_22, %add3A_23 : i32
    %dma_wait3A = arith.constant 0 : i32
    %dma_wait3A_25 = arith.constant 0 : i32
    %dma_wait3A_26 = tpu.memref_slice %arg6[%dma_wait3A, %dma_wait3A_25] : memref<10x128xi32, #tpu.memory_space<vmem>> -> memref<5x128xi32, #tpu.memory_space<vmem>>
    %dma_wait3A_27 = arith.constant 0 : i32
    %dma_wait3A_28 = arith.constant 0 : i32
    %dma_wait3A_29 = tpu.memref_slice %arg3[%dma_wait3A_27, %dma_wait3A_28] : memref<25600x128xi32, #tpu.memory_space<hbm>> -> memref<5x128xi32, #tpu.memory_space<hbm>>
    %dma_wait3A_30 = arith.constant 0 : i32
    %dma_wait3A_31 = arith.constant 0 : i32
    %dma_wait3A_32 = tpu.memref_slice %arg6[%dma_wait3A_30, %dma_wait3A_31] : memref<10x128xi32, #tpu.memory_space<vmem>> -> memref<5x128xi32, #tpu.memory_space<vmem>>
    %dma_wait3A_33 = arith.constant 0 : i32
    %dma_wait3A_34 = arith.constant 0 : i32
    %dma_wait3A_35 = tpu.memref_slice %arg3[%dma_wait3A_33, %dma_wait3A_34] : memref<25600x128xi32, #tpu.memory_space<hbm>> -> memref<5x128xi32, #tpu.memory_space<hbm>>
    tpu.wait_dma2 semaphore(%arg11 : memref<!tpu.dma_semaphore, #tpu.memory_space<semaphore_mem>>) src(%dma_wait3A_35 : memref<5x128xi32, #tpu.memory_space<hbm>>) dst(%dma_wait3A_32 : memref<5x128xi32, #tpu.memory_space<vmem>>)
    %mul3A_36 = arith.constant 800 : i32
    %mul3A_37 = arith.muli %add3A, %mul3A_36 : i32
    %add3A_38 = arith.constant 5 : i32
    %add3A_39 = arith.addi %mul3A_37, %add3A_38 : i32
    %add3A_40 = arith.constant 1 : i32
    %add3A_41 = arith.addi %add3A, %add3A_40 : i32
    %mul3A_42 = arith.constant 800 : i32
    %mul3A_43 = arith.muli %add3A_41, %mul3A_42 : i32
    %sub3A_44 = arith.constant 5 : i32
    %sub3A_45 = arith.subi %mul3A_43, %sub3A_44 : i32
    %min3A_46 = arith.minsi %add3A_39, %sub3A_45 : i32
    %dma_start3A_47 = arith.constant 5 : i32
    %dma_start3A_48 = arith.constant 0 : i32
    %dma_start3A_49 = tpu.memref_slice %arg6[%dma_start3A_47, %dma_start3A_48] : memref<10x128xi32, #tpu.memory_space<vmem>> -> memref<5x128xi32, #tpu.memory_space<vmem>>
    %dma_start3A_50 = arith.constant 0 : i32
    %dma_start3A_51 = tpu.memref_slice %arg3[%min3A_46, %dma_start3A_50] : memref<25600x128xi32, #tpu.memory_space<hbm>> -> memref<5x128xi32, #tpu.memory_space<hbm>>
    %dma_start3A_52 = arith.constant 5 : i32
    %dma_start3A_53 = arith.constant 0 : i32
    %dma_start3A_54 = tpu.memref_slice %arg6[%dma_start3A_52, %dma_start3A_53] : memref<10x128xi32, #tpu.memory_space<vmem>> -> memref<5x128xi32, #tpu.memory_space<vmem>>
    %dma_start3A_55 = arith.constant 0 : i32
    %dma_start3A_56 = tpu.memref_slice %arg3[%min3A_46, %dma_start3A_55] : memref<25600x128xi32, #tpu.memory_space<hbm>> -> memref<5x128xi32, #tpu.memory_space<hbm>>
    tpu.enqueue_dma source(%dma_start3A_56 : memref<5x128xi32, #tpu.memory_space<hbm>>) target(%dma_start3A_54 : memref<5x128xi32, #tpu.memory_space<vmem>>) target_semaphore(%arg11 : memref<!tpu.dma_semaphore, #tpu.memory_space<semaphore_mem>>)
    %dma_start3A_57 = arith.constant 0 : i32
    %dma_start3A_58 = arith.constant 0 : i32
    %dma_start3A_59 = arith.constant 0 : i32
    %dma_start3A_60 = tpu.memref_slice %arg7[%dma_start3A_58, %dma_start3A_59] : memref<1280x64xf32, #tpu.memory_space<vmem>> -> memref<128x64xf32, #tpu.memory_space<vmem>>
    %dma_start3A_61 = arith.constant 0 : i32
    %dma_start3A_62 = tpu.memref_slice %arg6[%dma_start3A_57, %dma_start3A_61] : memref<10x128xi32, #tpu.memory_space<vmem>> -> memref<1x128xi32, #tpu.memory_space<vmem>>
    %dma_start3A_63 = tpu.memref_squeeze %dma_start3A_62 : memref<1x128xi32, #tpu.memory_space<vmem>> -> memref<128xi32, #tpu.memory_space<vmem>>
    %dma_start3A_64 = arith.constant 0 : i32
    %dma_start3A_65 = arith.constant 0 : i32
    %dma_start3A_66 = tpu.memref_slice %arg5[%dma_start3A_64, %dma_start3A_65] : memref<1000x64xf32, #tpu.memory_space<vmem_shared>> -> memref<1000x64xf32, #tpu.memory_space<vmem_shared>>
    tpu.enqueue_indirect_dma source(%dma_start3A_66 : memref<1000x64xf32, #tpu.memory_space<vmem_shared>>) target(%dma_start3A_60 : memref<128x64xf32, #tpu.memory_space<vmem>>) offsets(%dma_start3A_63 : memref<128xi32, #tpu.memory_space<vmem>>) semaphore(%arg8 : memref<!tpu.dma_semaphore, #tpu.memory_space<semaphore_mem>>)
    %dma_start3A_67 = arith.constant 1 : i32
    %dma_start3A_68 = arith.constant 128 : i32
    %dma_start3A_69 = arith.constant 0 : i32
    %dma_start3A_70 = tpu.memref_slice %arg7[%dma_start3A_68, %dma_start3A_69] : memref<1280x64xf32, #tpu.memory_space<vmem>> -> memref<128x64xf32, #tpu.memory_space<vmem>>
    %dma_start3A_71 = arith.constant 0 : i32
    %dma_start3A_72 = tpu.memref_slice %arg6[%dma_start3A_67, %dma_start3A_71] : memref<10x128xi32, #tpu.memory_space<vmem>> -> memref<1x128xi32, #tpu.memory_space<vmem>>
    %dma_start3A_73 = tpu.memref_squeeze %dma_start3A_72 : memref<1x128xi32, #tpu.memory_space<vmem>> -> memref<128xi32, #tpu.memory_space<vmem>>
    %dma_start3A_74 = arith.constant 0 : i32
    %dma_start3A_75 = arith.constant 0 : i32
    %dma_start3A_76 = tpu.memref_slice %arg5[%dma_start3A_74, %dma_start3A_75] : memref<1000x64xf32, #tpu.memory_space<vmem_shared>> -> memref<1000x64xf32, #tpu.memory_space<vmem_shared>>
    tpu.enqueue_indirect_dma source(%dma_start3A_76 : memref<1000x64xf32, #tpu.memory_space<vmem_shared>>) target(%dma_start3A_70 : memref<128x64xf32, #tpu.memory_space<vmem>>) offsets(%dma_start3A_73 : memref<128xi32, #tpu.memory_space<vmem>>) semaphore(%arg8 : memref<!tpu.dma_semaphore, #tpu.memory_space<semaphore_mem>>)
    %dma_start3A_77 = arith.constant 2 : i32
    %dma_start3A_78 = arith.constant 256 : i32
    %dma_start3A_79 = arith.constant 0 : i32
    %dma_start3A_80 = tpu.memref_slice %arg7[%dma_start3A_78, %dma_start3A_79] : memref<1280x64xf32, #tpu.memory_space<vmem>> -> memref<128x64xf32, #tpu.memory_space<vmem>>
    %dma_start3A_81 = arith.constant 0 : i32
    %dma_start3A_82 = tpu.memref_slice %arg6[%dma_start3A_77, %dma_start3A_81] : memref<10x128xi32, #tpu.memory_space<vmem>> -> memref<1x128xi32, #tpu.memory_space<vmem>>
    %dma_start3A_83 = tpu.memref_squeeze %dma_start3A_82 : memref<1x128xi32, #tpu.memory_space<vmem>> -> memref<128xi32, #tpu.memory_space<vmem>>
    %dma_start3A_84 = arith.constant 0 : i32
    %dma_start3A_85 = arith.constant 0 : i32
    %dma_start3A_86 = tpu.memref_slice %arg5[%dma_start3A_84, %dma_start3A_85] : memref<1000x64xf32, #tpu.memory_space<vmem_shared>> -> memref<1000x64xf32, #tpu.memory_space<vmem_shared>>
    tpu.enqueue_indirect_dma source(%dma_start3A_86 : memref<1000x64xf32, #tpu.memory_space<vmem_shared>>) target(%dma_start3A_80 : memref<128x64xf32, #tpu.memory_space<vmem>>) offsets(%dma_start3A_83 : memref<128xi32, #tpu.memory_space<vmem>>) semaphore(%arg8 : memref<!tpu.dma_semaphore, #tpu.memory_space<semaphore_mem>>)
    %dma_start3A_87 = arith.constant 3 : i32
    %dma_start3A_88 = arith.constant 384 : i32
    %dma_start3A_89 = arith.constant 0 : i32
    %dma_start3A_90 = tpu.memref_slice %arg7[%dma_start3A_88, %dma_start3A_89] : memref<1280x64xf32, #tpu.memory_space<vmem>> -> memref<128x64xf32, #tpu.memory_space<vmem>>
    %dma_start3A_91 = arith.constant 0 : i32
    %dma_start3A_92 = tpu.memref_slice %arg6[%dma_start3A_87, %dma_start3A_91] : memref<10x128xi32, #tpu.memory_space<vmem>> -> memref<1x128xi32, #tpu.memory_space<vmem>>
    %dma_start3A_93 = tpu.memref_squeeze %dma_start3A_92 : memref<1x128xi32, #tpu.memory_space<vmem>> -> memref<128xi32, #tpu.memory_space<vmem>>
    %dma_start3A_94 = arith.constant 0 : i32
    %dma_start3A_95 = arith.constant 0 : i32
    %dma_start3A_96 = tpu.memref_slice %arg5[%dma_start3A_94, %dma_start3A_95] : memref<1000x64xf32, #tpu.memory_space<vmem_shared>> -> memref<1000x64xf32, #tpu.memory_space<vmem_shared>>
    tpu.enqueue_indirect_dma source(%dma_start3A_96 : memref<1000x64xf32, #tpu.memory_space<vmem_shared>>) target(%dma_start3A_90 : memref<128x64xf32, #tpu.memory_space<vmem>>) offsets(%dma_start3A_93 : memref<128xi32, #tpu.memory_space<vmem>>) semaphore(%arg8 : memref<!tpu.dma_semaphore, #tpu.memory_space<semaphore_mem>>)
    %dma_start3A_97 = arith.constant 4 : i32
    %dma_start3A_98 = arith.constant 512 : i32
    %dma_start3A_99 = arith.constant 0 : i32
    %dma_start3A_100 = tpu.memref_slice %arg7[%dma_start3A_98, %dma_start3A_99] : memref<1280x64xf32, #tpu.memory_space<vmem>> -> memref<128x64xf32, #tpu.memory_space<vmem>>
    %dma_start3A_101 = arith.constant 0 : i32
    %dma_start3A_102 = tpu.memref_slice %arg6[%dma_start3A_97, %dma_start3A_101] : memref<10x128xi32, #tpu.memory_space<vmem>> -> memref<1x128xi32, #tpu.memory_space<vmem>>
    %dma_start3A_103 = tpu.memref_squeeze %dma_start3A_102 : memref<1x128xi32, #tpu.memory_space<vmem>> -> memref<128xi32, #tpu.memory_space<vmem>>
    %dma_start3A_104 = arith.constant 0 : i32
    %dma_start3A_105 = arith.constant 0 : i32
    %dma_start3A_106 = tpu.memref_slice %arg5[%dma_start3A_104, %dma_start3A_105] : memref<1000x64xf32, #tpu.memory_space<vmem_shared>> -> memref<1000x64xf32, #tpu.memory_space<vmem_shared>>
    tpu.enqueue_indirect_dma source(%dma_start3A_106 : memref<1000x64xf32, #tpu.memory_space<vmem_shared>>) target(%dma_start3A_100 : memref<128x64xf32, #tpu.memory_space<vmem>>) offsets(%dma_start3A_103 : memref<128xi32, #tpu.memory_space<vmem>>) semaphore(%arg8 : memref<!tpu.dma_semaphore, #tpu.memory_space<semaphore_mem>>)
    %dma_wait3A_107 = arith.constant 0 : i32
    %dma_wait3A_108 = arith.constant 0 : i32
    %dma_wait3A_109 = arith.constant 0 : i32
    %dma_wait3A_110 = tpu.memref_slice %arg7[%dma_wait3A_108, %dma_wait3A_109] : memref<1280x64xf32, #tpu.memory_space<vmem>> -> memref<128x64xf32, #tpu.memory_space<vmem>>
    %dma_wait3A_111 = arith.constant 0 : i32
    %dma_wait3A_112 = tpu.memref_slice %arg6[%dma_wait3A_107, %dma_wait3A_111] : memref<10x128xi32, #tpu.memory_space<vmem>> -> memref<1x128xi32, #tpu.memory_space<vmem>>
    %dma_wait3A_113 = tpu.memref_squeeze %dma_wait3A_112 : memref<1x128xi32, #tpu.memory_space<vmem>> -> memref<128xi32, #tpu.memory_space<vmem>>
    %dma_wait3A_114 = arith.constant 0 : i32
    %dma_wait3A_115 = arith.constant 0 : i32
    %dma_wait3A_116 = tpu.memref_slice %arg5[%dma_wait3A_114, %dma_wait3A_115] : memref<1000x64xf32, #tpu.memory_space<vmem_shared>> -> memref<1000x64xf32, #tpu.memory_space<vmem_shared>>
    tpu.wait_indirect_dma semaphore(%arg8 : memref<!tpu.dma_semaphore, #tpu.memory_space<semaphore_mem>>) src(%dma_wait3A_116 : memref<1000x64xf32, #tpu.memory_space<vmem_shared>>) dst(%dma_wait3A_110 : memref<128x64xf32, #tpu.memory_space<vmem>>)
    %dma_wait3A_117 = arith.constant 1 : i32
    %dma_wait3A_118 = arith.constant 128 : i32
    %dma_wait3A_119 = arith.constant 0 : i32
    %dma_wait3A_120 = tpu.memref_slice %arg7[%dma_wait3A_118, %dma_wait3A_119] : memref<1280x64xf32, #tpu.memory_space<vmem>> -> memref<128x64xf32, #tpu.memory_space<vmem>>
    %dma_wait3A_121 = arith.constant 0 : i32
    %dma_wait3A_122 = tpu.memref_slice %arg6[%dma_wait3A_117, %dma_wait3A_121] : memref<10x128xi32, #tpu.memory_space<vmem>> -> memref<1x128xi32, #tpu.memory_space<vmem>>
    %dma_wait3A_123 = tpu.memref_squeeze %dma_wait3A_122 : memref<1x128xi32, #tpu.memory_space<vmem>> -> memref<128xi32, #tpu.memory_space<vmem>>
    %dma_wait3A_124 = arith.constant 0 : i32
    %dma_wait3A_125 = arith.constant 0 : i32
    %dma_wait3A_126 = tpu.memref_slice %arg5[%dma_wait3A_124, %dma_wait3A_125] : memref<1000x64xf32, #tpu.memory_space<vmem_shared>> -> memref<1000x64xf32, #tpu.memory_space<vmem_shared>>
    tpu.wait_indirect_dma semaphore(%arg8 : memref<!tpu.dma_semaphore, #tpu.memory_space<semaphore_mem>>) src(%dma_wait3A_126 : memref<1000x64xf32, #tpu.memory_space<vmem_shared>>) dst(%dma_wait3A_120 : memref<128x64xf32, #tpu.memory_space<vmem>>)
    %dma_wait3A_127 = arith.constant 2 : i32
    %dma_wait3A_128 = arith.constant 256 : i32
    %dma_wait3A_129 = arith.constant 0 : i32
    %dma_wait3A_130 = tpu.memref_slice %arg7[%dma_wait3A_128, %dma_wait3A_129] : memref<1280x64xf32, #tpu.memory_space<vmem>> -> memref<128x64xf32, #tpu.memory_space<vmem>>
    %dma_wait3A_131 = arith.constant 0 : i32
    %dma_wait3A_132 = tpu.memref_slice %arg6[%dma_wait3A_127, %dma_wait3A_131] : memref<10x128xi32, #tpu.memory_space<vmem>> -> memref<1x128xi32, #tpu.memory_space<vmem>>
    %dma_wait3A_133 = tpu.memref_squeeze %dma_wait3A_132 : memref<1x128xi32, #tpu.memory_space<vmem>> -> memref<128xi32, #tpu.memory_space<vmem>>
    %dma_wait3A_134 = arith.constant 0 : i32
    %dma_wait3A_135 = arith.constant 0 : i32
    %dma_wait3A_136 = tpu.memref_slice %arg5[%dma_wait3A_134, %dma_wait3A_135] : memref<1000x64xf32, #tpu.memory_space<vmem_shared>> -> memref<1000x64xf32, #tpu.memory_space<vmem_shared>>
    tpu.wait_indirect_dma semaphore(%arg8 : memref<!tpu.dma_semaphore, #tpu.memory_space<semaphore_mem>>) src(%dma_wait3A_136 : memref<1000x64xf32, #tpu.memory_space<vmem_shared>>) dst(%dma_wait3A_130 : memref<128x64xf32, #tpu.memory_space<vmem>>)
    %dma_wait3A_137 = arith.constant 3 : i32
    %dma_wait3A_138 = arith.constant 384 : i32
    %dma_wait3A_139 = arith.constant 0 : i32
    %dma_wait3A_140 = tpu.memref_slice %arg7[%dma_wait3A_138, %dma_wait3A_139] : memref<1280x64xf32, #tpu.memory_space<vmem>> -> memref<128x64xf32, #tpu.memory_space<vmem>>
    %dma_wait3A_141 = arith.constant 0 : i32
    %dma_wait3A_142 = tpu.memref_slice %arg6[%dma_wait3A_137, %dma_wait3A_141] : memref<10x128xi32, #tpu.memory_space<vmem>> -> memref<1x128xi32, #tpu.memory_space<vmem>>
    %dma_wait3A_143 = tpu.memref_squeeze %dma_wait3A_142 : memref<1x128xi32, #tpu.memory_space<vmem>> -> memref<128xi32, #tpu.memory_space<vmem>>
    %dma_wait3A_144 = arith.constant 0 : i32
    %dma_wait3A_145 = arith.constant 0 : i32
    %dma_wait3A_146 = tpu.memref_slice %arg5[%dma_wait3A_144, %dma_wait3A_145] : memref<1000x64xf32, #tpu.memory_space<vmem_shared>> -> memref<1000x64xf32, #tpu.memory_space<vmem_shared>>
    tpu.wait_indirect_dma semaphore(%arg8 : memref<!tpu.dma_semaphore, #tpu.memory_space<semaphore_mem>>) src(%dma_wait3A_146 : memref<1000x64xf32, #tpu.memory_space<vmem_shared>>) dst(%dma_wait3A_140 : memref<128x64xf32, #tpu.memory_space<vmem>>)
    %dma_wait3A_147 = arith.constant 4 : i32
    %dma_wait3A_148 = arith.constant 512 : i32
    %dma_wait3A_149 = arith.constant 0 : i32
    %dma_wait3A_150 = tpu.memref_slice %arg7[%dma_wait3A_148, %dma_wait3A_149] : memref<1280x64xf32, #tpu.memory_space<vmem>> -> memref<128x64xf32, #tpu.memory_space<vmem>>
    %dma_wait3A_151 = arith.constant 0 : i32
    %dma_wait3A_152 = tpu.memref_slice %arg6[%dma_wait3A_147, %dma_wait3A_151] : memref<10x128xi32, #tpu.memory_space<vmem>> -> memref<1x128xi32, #tpu.memory_space<vmem>>
    %dma_wait3A_153 = tpu.memref_squeeze %dma_wait3A_152 : memref<1x128xi32, #tpu.memory_space<vmem>> -> memref<128xi32, #tpu.memory_space<vmem>>
    %dma_wait3A_154 = arith.constant 0 : i32
    %dma_wait3A_155 = arith.constant 0 : i32
    %dma_wait3A_156 = tpu.memref_slice %arg5[%dma_wait3A_154, %dma_wait3A_155] : memref<1000x64xf32, #tpu.memory_space<vmem_shared>> -> memref<1000x64xf32, #tpu.memory_space<vmem_shared>>
    tpu.wait_indirect_dma semaphore(%arg8 : memref<!tpu.dma_semaphore, #tpu.memory_space<semaphore_mem>>) src(%dma_wait3A_156 : memref<1000x64xf32, #tpu.memory_space<vmem_shared>>) dst(%dma_wait3A_150 : memref<128x64xf32, #tpu.memory_space<vmem>>)
    %mul3A_157 = arith.constant 128 : i32
    %mul3A_158 = arith.muli %add3A_24, %mul3A_157 : i32
    %dma_start3A_159 = arith.constant 0 : i32
    %dma_start3A_160 = arith.constant 0 : i32
    %dma_start3A_161 = tpu.memref_slice %arg7[%dma_start3A_159, %dma_start3A_160] : memref<1280x64xf32, #tpu.memory_space<vmem>> -> memref<640x64xf32, #tpu.memory_space<vmem>>
    %dma_start3A_162 = arith.constant 0 : i32
    %dma_start3A_163 = tpu.memref_slice %arg4[%mul3A_158, %dma_start3A_162] : memref<3276800x128xf32, #tpu.memory_space<hbm>> -> memref<640x64xf32, #tpu.memory_space<hbm>>
    %dma_start3A_164 = arith.constant 0 : i32
    %dma_start3A_165 = tpu.memref_slice %arg4[%mul3A_158, %dma_start3A_164] : memref<3276800x128xf32, #tpu.memory_space<hbm>> -> memref<640x64xf32, #tpu.memory_space<hbm>>
    %dma_start3A_166 = arith.constant 0 : i32
    %dma_start3A_167 = arith.constant 0 : i32
    %dma_start3A_168 = tpu.memref_slice %arg7[%dma_start3A_166, %dma_start3A_167] : memref<1280x64xf32, #tpu.memory_space<vmem>> -> memref<640x64xf32, #tpu.memory_space<vmem>>
    tpu.enqueue_dma source(%dma_start3A_168 : memref<640x64xf32, #tpu.memory_space<vmem>>) target(%dma_start3A_165 : memref<640x64xf32, #tpu.memory_space<hbm>>) target_semaphore(%arg9 : memref<!tpu.dma_semaphore, #tpu.memory_space<semaphore_mem>>)
    %mul3A_169 = arith.constant 800 : i32
    %mul3A_170 = arith.muli %add3A, %mul3A_169 : i32
    %add3A_171 = arith.constant 5 : i32
    %add3A_172 = arith.addi %mul3A_170, %add3A_171 : i32
    %dma_wait3A_173 = arith.constant 5 : i32
    %dma_wait3A_174 = arith.constant 0 : i32
    %dma_wait3A_175 = tpu.memref_slice %arg6[%dma_wait3A_173, %dma_wait3A_174] : memref<10x128xi32, #tpu.memory_space<vmem>> -> memref<5x128xi32, #tpu.memory_space<vmem>>
    %dma_wait3A_176 = arith.constant 0 : i32
    %dma_wait3A_177 = arith.constant 0 : i32
    %dma_wait3A_178 = tpu.memref_slice %arg3[%dma_wait3A_176, %dma_wait3A_177] : memref<25600x128xi32, #tpu.memory_space<hbm>> -> memref<5x128xi32, #tpu.memory_space<hbm>>
    %dma_wait3A_179 = arith.constant 5 : i32
    %dma_wait3A_180 = arith.constant 0 : i32
    %dma_wait3A_181 = tpu.memref_slice %arg6[%dma_wait3A_179, %dma_wait3A_180] : memref<10x128xi32, #tpu.memory_space<vmem>> -> memref<5x128xi32, #tpu.memory_space<vmem>>
    %dma_wait3A_182 = arith.constant 0 : i32
    %dma_wait3A_183 = arith.constant 0 : i32
    %dma_wait3A_184 = tpu.memref_slice %arg3[%dma_wait3A_182, %dma_wait3A_183] : memref<25600x128xi32, #tpu.memory_space<hbm>> -> memref<5x128xi32, #tpu.memory_space<hbm>>
    tpu.wait_dma2 semaphore(%arg11 : memref<!tpu.dma_semaphore, #tpu.memory_space<semaphore_mem>>) src(%dma_wait3A_184 : memref<5x128xi32, #tpu.memory_space<hbm>>) dst(%dma_wait3A_181 : memref<5x128xi32, #tpu.memory_space<vmem>>)
    %mul3A_185 = arith.constant 800 : i32
    %mul3A_186 = arith.muli %add3A, %mul3A_185 : i32
    %add3A_187 = arith.constant 10 : i32
    %add3A_188 = arith.addi %mul3A_186, %add3A_187 : i32
    %add3A_189 = arith.constant 1 : i32
    %add3A_190 = arith.addi %add3A, %add3A_189 : i32
    %mul3A_191 = arith.constant 800 : i32
    %mul3A_192 = arith.muli %add3A_190, %mul3A_191 : i32
    %sub3A_193 = arith.constant 5 : i32
    %sub3A_194 = arith.subi %mul3A_192, %sub3A_193 : i32
    %min3A_195 = arith.minsi %add3A_188, %sub3A_194 : i32
    %dma_start3A_196 = arith.constant 0 : i32
    %dma_start3A_197 = arith.constant 0 : i32
    %dma_start3A_198 = tpu.memref_slice %arg6[%dma_start3A_196, %dma_start3A_197] : memref<10x128xi32, #tpu.memory_space<vmem>> -> memref<5x128xi32, #tpu.memory_space<vmem>>
    %dma_start3A_199 = arith.constant 0 : i32
    %dma_start3A_200 = tpu.memref_slice %arg3[%min3A_195, %dma_start3A_199] : memref<25600x128xi32, #tpu.memory_space<hbm>> -> memref<5x128xi32, #tpu.memory_space<hbm>>
    %dma_start3A_201 = arith.constant 0 : i32
    %dma_start3A_202 = arith.constant 0 : i32
    %dma_start3A_203 = tpu.memref_slice %arg6[%dma_start3A_201, %dma_start3A_202] : memref<10x128xi32, #tpu.memory_space<vmem>> -> memref<5x128xi32, #tpu.memory_space<vmem>>
    %dma_start3A_204 = arith.constant 0 : i32
    %dma_start3A_205 = tpu.memref_slice %arg3[%min3A_195, %dma_start3A_204] : memref<25600x128xi32, #tpu.memory_space<hbm>> -> memref<5x128xi32, #tpu.memory_space<hbm>>
    tpu.enqueue_dma source(%dma_start3A_205 : memref<5x128xi32, #tpu.memory_space<hbm>>) target(%dma_start3A_203 : memref<5x128xi32, #tpu.memory_space<vmem>>) target_semaphore(%arg11 : memref<!tpu.dma_semaphore, #tpu.memory_space<semaphore_mem>>)
    %dma_start3A_206 = arith.constant 5 : i32
    %dma_start3A_207 = arith.constant 640 : i32
    %dma_start3A_208 = arith.constant 0 : i32
    %dma_start3A_209 = tpu.memref_slice %arg7[%dma_start3A_207, %dma_start3A_208] : memref<1280x64xf32, #tpu.memory_space<vmem>> -> memref<128x64xf32, #tpu.memory_space<vmem>>
    %dma_start3A_210 = arith.constant 0 : i32
    %dma_start3A_211 = tpu.memref_slice %arg6[%dma_start3A_206, %dma_start3A_210] : memref<10x128xi32, #tpu.memory_space<vmem>> -> memref<1x128xi32, #tpu.memory_space<vmem>>
    %dma_start3A_212 = tpu.memref_squeeze %dma_start3A_211 : memref<1x128xi32, #tpu.memory_space<vmem>> -> memref<128xi32, #tpu.memory_space<vmem>>
    %dma_start3A_213 = arith.constant 0 : i32
    %dma_start3A_214 = arith.constant 0 : i32
    %dma_start3A_215 = tpu.memref_slice %arg5[%dma_start3A_213, %dma_start3A_214] : memref<1000x64xf32, #tpu.memory_space<vmem_shared>> -> memref<1000x64xf32, #tpu.memory_space<vmem_shared>>
    tpu.enqueue_indirect_dma source(%dma_start3A_215 : memref<1000x64xf32, #tpu.memory_space<vmem_shared>>) target(%dma_start3A_209 : memref<128x64xf32, #tpu.memory_space<vmem>>) offsets(%dma_start3A_212 : memref<128xi32, #tpu.memory_space<vmem>>) semaphore(%arg8 : memref<!tpu.dma_semaphore, #tpu.memory_space<semaphore_mem>>)
    %dma_start3A_216 = arith.constant 6 : i32
    %dma_start3A_217 = arith.constant 768 : i32
    %dma_start3A_218 = arith.constant 0 : i32
    %dma_start3A_219 = tpu.memref_slice %arg7[%dma_start3A_217, %dma_start3A_218] : memref<1280x64xf32, #tpu.memory_space<vmem>> -> memref<128x64xf32, #tpu.memory_space<vmem>>
    %dma_start3A_220 = arith.constant 0 : i32
    %dma_start3A_221 = tpu.memref_slice %arg6[%dma_start3A_216, %dma_start3A_220] : memref<10x128xi32, #tpu.memory_space<vmem>> -> memref<1x128xi32, #tpu.memory_space<vmem>>
    %dma_start3A_222 = tpu.memref_squeeze %dma_start3A_221 : memref<1x128xi32, #tpu.memory_space<vmem>> -> memref<128xi32, #tpu.memory_space<vmem>>
    %dma_start3A_223 = arith.constant 0 : i32
    %dma_start3A_224 = arith.constant 0 : i32
    %dma_start3A_225 = tpu.memref_slice %arg5[%dma_start3A_223, %dma_start3A_224] : memref<1000x64xf32, #tpu.memory_space<vmem_shared>> -> memref<1000x64xf32, #tpu.memory_space<vmem_shared>>
    tpu.enqueue_indirect_dma source(%dma_start3A_225 : memref<1000x64xf32, #tpu.memory_space<vmem_shared>>) target(%dma_start3A_219 : memref<128x64xf32, #tpu.memory_space<vmem>>) offsets(%dma_start3A_222 : memref<128xi32, #tpu.memory_space<vmem>>) semaphore(%arg8 : memref<!tpu.dma_semaphore, #tpu.memory_space<semaphore_mem>>)
    %dma_start3A_226 = arith.constant 7 : i32
    %dma_start3A_227 = arith.constant 896 : i32
    %dma_start3A_228 = arith.constant 0 : i32
    %dma_start3A_229 = tpu.memref_slice %arg7[%dma_start3A_227, %dma_start3A_228] : memref<1280x64xf32, #tpu.memory_space<vmem>> -> memref<128x64xf32, #tpu.memory_space<vmem>>
    %dma_start3A_230 = arith.constant 0 : i32
    %dma_start3A_231 = tpu.memref_slice %arg6[%dma_start3A_226, %dma_start3A_230] : memref<10x128xi32, #tpu.memory_space<vmem>> -> memref<1x128xi32, #tpu.memory_space<vmem>>
    %dma_start3A_232 = tpu.memref_squeeze %dma_start3A_231 : memref<1x128xi32, #tpu.memory_space<vmem>> -> memref<128xi32, #tpu.memory_space<vmem>>
    %dma_start3A_233 = arith.constant 0 : i32
    %dma_start3A_234 = arith.constant 0 : i32
    %dma_start3A_235 = tpu.memref_slice %arg5[%dma_start3A_233, %dma_start3A_234] : memref<1000x64xf32, #tpu.memory_space<vmem_shared>> -> memref<1000x64xf32, #tpu.memory_space<vmem_shared>>
    tpu.enqueue_indirect_dma source(%dma_start3A_235 : memref<1000x64xf32, #tpu.memory_space<vmem_shared>>) target(%dma_start3A_229 : memref<128x64xf32, #tpu.memory_space<vmem>>) offsets(%dma_start3A_232 : memref<128xi32, #tpu.memory_space<vmem>>) semaphore(%arg8 : memref<!tpu.dma_semaphore, #tpu.memory_space<semaphore_mem>>)
    %dma_start3A_236 = arith.constant 8 : i32
    %dma_start3A_237 = arith.constant 1024 : i32
    %dma_start3A_238 = arith.constant 0 : i32
    %dma_start3A_239 = tpu.memref_slice %arg7[%dma_start3A_237, %dma_start3A_238] : memref<1280x64xf32, #tpu.memory_space<vmem>> -> memref<128x64xf32, #tpu.memory_space<vmem>>
    %dma_start3A_240 = arith.constant 0 : i32
    %dma_start3A_241 = tpu.memref_slice %arg6[%dma_start3A_236, %dma_start3A_240] : memref<10x128xi32, #tpu.memory_space<vmem>> -> memref<1x128xi32, #tpu.memory_space<vmem>>
    %dma_start3A_242 = tpu.memref_squeeze %dma_start3A_241 : memref<1x128xi32, #tpu.memory_space<vmem>> -> memref<128xi32, #tpu.memory_space<vmem>>
    %dma_start3A_243 = arith.constant 0 : i32
    %dma_start3A_244 = arith.constant 0 : i32
    %dma_start3A_245 = tpu.memref_slice %arg5[%dma_start3A_243, %dma_start3A_244] : memref<1000x64xf32, #tpu.memory_space<vmem_shared>> -> memref<1000x64xf32, #tpu.memory_space<vmem_shared>>
    tpu.enqueue_indirect_dma source(%dma_start3A_245 : memref<1000x64xf32, #tpu.memory_space<vmem_shared>>) target(%dma_start3A_239 : memref<128x64xf32, #tpu.memory_space<vmem>>) offsets(%dma_start3A_242 : memref<128xi32, #tpu.memory_space<vmem>>) semaphore(%arg8 : memref<!tpu.dma_semaphore, #tpu.memory_space<semaphore_mem>>)
    %dma_start3A_246 = arith.constant 9 : i32
    %dma_start3A_247 = arith.constant 1152 : i32
    %dma_start3A_248 = arith.constant 0 : i32
    %dma_start3A_249 = tpu.memref_slice %arg7[%dma_start3A_247, %dma_start3A_248] : memref<1280x64xf32, #tpu.memory_space<vmem>> -> memref<128x64xf32, #tpu.memory_space<vmem>>
    %dma_start3A_250 = arith.constant 0 : i32
    %dma_start3A_251 = tpu.memref_slice %arg6[%dma_start3A_246, %dma_start3A_250] : memref<10x128xi32, #tpu.memory_space<vmem>> -> memref<1x128xi32, #tpu.memory_space<vmem>>
    %dma_start3A_252 = tpu.memref_squeeze %dma_start3A_251 : memref<1x128xi32, #tpu.memory_space<vmem>> -> memref<128xi32, #tpu.memory_space<vmem>>
    %dma_start3A_253 = arith.constant 0 : i32
    %dma_start3A_254 = arith.constant 0 : i32
    %dma_start3A_255 = tpu.memref_slice %arg5[%dma_start3A_253, %dma_start3A_254] : memref<1000x64xf32, #tpu.memory_space<vmem_shared>> -> memref<1000x64xf32, #tpu.memory_space<vmem_shared>>
    tpu.enqueue_indirect_dma source(%dma_start3A_255 : memref<1000x64xf32, #tpu.memory_space<vmem_shared>>) target(%dma_start3A_249 : memref<128x64xf32, #tpu.memory_space<vmem>>) offsets(%dma_start3A_252 : memref<128xi32, #tpu.memory_space<vmem>>) semaphore(%arg8 : memref<!tpu.dma_semaphore, #tpu.memory_space<semaphore_mem>>)
    %dma_wait3A_256 = arith.constant 5 : i32
    %dma_wait3A_257 = arith.constant 640 : i32
    %dma_wait3A_258 = arith.constant 0 : i32
    %dma_wait3A_259 = tpu.memref_slice %arg7[%dma_wait3A_257, %dma_wait3A_258] : memref<1280x64xf32, #tpu.memory_space<vmem>> -> memref<128x64xf32, #tpu.memory_space<vmem>>
    %dma_wait3A_260 = arith.constant 0 : i32
    %dma_wait3A_261 = tpu.memref_slice %arg6[%dma_wait3A_256, %dma_wait3A_260] : memref<10x128xi32, #tpu.memory_space<vmem>> -> memref<1x128xi32, #tpu.memory_space<vmem>>
    %dma_wait3A_262 = tpu.memref_squeeze %dma_wait3A_261 : memref<1x128xi32, #tpu.memory_space<vmem>> -> memref<128xi32, #tpu.memory_space<vmem>>
    %dma_wait3A_263 = arith.constant 0 : i32
    %dma_wait3A_264 = arith.constant 0 : i32
    %dma_wait3A_265 = tpu.memref_slice %arg5[%dma_wait3A_263, %dma_wait3A_264] : memref<1000x64xf32, #tpu.memory_space<vmem_shared>> -> memref<1000x64xf32, #tpu.memory_space<vmem_shared>>
    tpu.wait_indirect_dma semaphore(%arg8 : memref<!tpu.dma_semaphore, #tpu.memory_space<semaphore_mem>>) src(%dma_wait3A_265 : memref<1000x64xf32, #tpu.memory_space<vmem_shared>>) dst(%dma_wait3A_259 : memref<128x64xf32, #tpu.memory_space<vmem>>)
    %dma_wait3A_266 = arith.constant 6 : i32
    %dma_wait3A_267 = arith.constant 768 : i32
    %dma_wait3A_268 = arith.constant 0 : i32
    %dma_wait3A_269 = tpu.memref_slice %arg7[%dma_wait3A_267, %dma_wait3A_268] : memref<1280x64xf32, #tpu.memory_space<vmem>> -> memref<128x64xf32, #tpu.memory_space<vmem>>
    %dma_wait3A_270 = arith.constant 0 : i32
    %dma_wait3A_271 = tpu.memref_slice %arg6[%dma_wait3A_266, %dma_wait3A_270] : memref<10x128xi32, #tpu.memory_space<vmem>> -> memref<1x128xi32, #tpu.memory_space<vmem>>
    %dma_wait3A_272 = tpu.memref_squeeze %dma_wait3A_271 : memref<1x128xi32, #tpu.memory_space<vmem>> -> memref<128xi32, #tpu.memory_space<vmem>>
    %dma_wait3A_273 = arith.constant 0 : i32
    %dma_wait3A_274 = arith.constant 0 : i32
    %dma_wait3A_275 = tpu.memref_slice %arg5[%dma_wait3A_273, %dma_wait3A_274] : memref<1000x64xf32, #tpu.memory_space<vmem_shared>> -> memref<1000x64xf32, #tpu.memory_space<vmem_shared>>
    tpu.wait_indirect_dma semaphore(%arg8 : memref<!tpu.dma_semaphore, #tpu.memory_space<semaphore_mem>>) src(%dma_wait3A_275 : memref<1000x64xf32, #tpu.memory_space<vmem_shared>>) dst(%dma_wait3A_269 : memref<128x64xf32, #tpu.memory_space<vmem>>)
    %dma_wait3A_276 = arith.constant 7 : i32
    %dma_wait3A_277 = arith.constant 896 : i32
    %dma_wait3A_278 = arith.constant 0 : i32
    %dma_wait3A_279 = tpu.memref_slice %arg7[%dma_wait3A_277, %dma_wait3A_278] : memref<1280x64xf32, #tpu.memory_space<vmem>> -> memref<128x64xf32, #tpu.memory_space<vmem>>
    %dma_wait3A_280 = arith.constant 0 : i32
    %dma_wait3A_281 = tpu.memref_slice %arg6[%dma_wait3A_276, %dma_wait3A_280] : memref<10x128xi32, #tpu.memory_space<vmem>> -> memref<1x128xi32, #tpu.memory_space<vmem>>
    %dma_wait3A_282 = tpu.memref_squeeze %dma_wait3A_281 : memref<1x128xi32, #tpu.memory_space<vmem>> -> memref<128xi32, #tpu.memory_space<vmem>>
    %dma_wait3A_283 = arith.constant 0 : i32
    %dma_wait3A_284 = arith.constant 0 : i32
    %dma_wait3A_285 = tpu.memref_slice %arg5[%dma_wait3A_283, %dma_wait3A_284] : memref<1000x64xf32, #tpu.memory_space<vmem_shared>> -> memref<1000x64xf32, #tpu.memory_space<vmem_shared>>
    tpu.wait_indirect_dma semaphore(%arg8 : memref<!tpu.dma_semaphore, #tpu.memory_space<semaphore_mem>>) src(%dma_wait3A_285 : memref<1000x64xf32, #tpu.memory_space<vmem_shared>>) dst(%dma_wait3A_279 : memref<128x64xf32, #tpu.memory_space<vmem>>)
    %dma_wait3A_286 = arith.constant 8 : i32
    %dma_wait3A_287 = arith.constant 1024 : i32
    %dma_wait3A_288 = arith.constant 0 : i32
    %dma_wait3A_289 = tpu.memref_slice %arg7[%dma_wait3A_287, %dma_wait3A_288] : memref<1280x64xf32, #tpu.memory_space<vmem>> -> memref<128x64xf32, #tpu.memory_space<vmem>>
    %dma_wait3A_290 = arith.constant 0 : i32
    %dma_wait3A_291 = tpu.memref_slice %arg6[%dma_wait3A_286, %dma_wait3A_290] : memref<10x128xi32, #tpu.memory_space<vmem>> -> memref<1x128xi32, #tpu.memory_space<vmem>>
    %dma_wait3A_292 = tpu.memref_squeeze %dma_wait3A_291 : memref<1x128xi32, #tpu.memory_space<vmem>> -> memref<128xi32, #tpu.memory_space<vmem>>
    %dma_wait3A_293 = arith.constant 0 : i32
    %dma_wait3A_294 = arith.constant 0 : i32
    %dma_wait3A_295 = tpu.memref_slice %arg5[%dma_wait3A_293, %dma_wait3A_294] : memref<1000x64xf32, #tpu.memory_space<vmem_shared>> -> memref<1000x64xf32, #tpu.memory_space<vmem_shared>>
    tpu.wait_indirect_dma semaphore(%arg8 : memref<!tpu.dma_semaphore, #tpu.memory_space<semaphore_mem>>) src(%dma_wait3A_295 : memref<1000x64xf32, #tpu.memory_space<vmem_shared>>) dst(%dma_wait3A_289 : memref<128x64xf32, #tpu.memory_space<vmem>>)
    %dma_wait3A_296 = arith.constant 9 : i32
    %dma_wait3A_297 = arith.constant 1152 : i32
    %dma_wait3A_298 = arith.constant 0 : i32
    %dma_wait3A_299 = tpu.memref_slice %arg7[%dma_wait3A_297, %dma_wait3A_298] : memref<1280x64xf32, #tpu.memory_space<vmem>> -> memref<128x64xf32, #tpu.memory_space<vmem>>
    %dma_wait3A_300 = arith.constant 0 : i32
    %dma_wait3A_301 = tpu.memref_slice %arg6[%dma_wait3A_296, %dma_wait3A_300] : memref<10x128xi32, #tpu.memory_space<vmem>> -> memref<1x128xi32, #tpu.memory_space<vmem>>
    %dma_wait3A_302 = tpu.memref_squeeze %dma_wait3A_301 : memref<1x128xi32, #tpu.memory_space<vmem>> -> memref<128xi32, #tpu.memory_space<vmem>>
    %dma_wait3A_303 = arith.constant 0 : i32
    %dma_wait3A_304 = arith.constant 0 : i32
    %dma_wait3A_305 = tpu.memref_slice %arg5[%dma_wait3A_303, %dma_wait3A_304] : memref<1000x64xf32, #tpu.memory_space<vmem_shared>> -> memref<1000x64xf32, #tpu.memory_space<vmem_shared>>
    tpu.wait_indirect_dma semaphore(%arg8 : memref<!tpu.dma_semaphore, #tpu.memory_space<semaphore_mem>>) src(%dma_wait3A_305 : memref<1000x64xf32, #tpu.memory_space<vmem_shared>>) dst(%dma_wait3A_299 : memref<128x64xf32, #tpu.memory_space<vmem>>)
    %mul3A_306 = arith.constant 128 : i32
    %mul3A_307 = arith.muli %add3A_172, %mul3A_306 : i32
    %dma_start3A_308 = arith.constant 640 : i32
    %dma_start3A_309 = arith.constant 0 : i32
    %dma_start3A_310 = tpu.memref_slice %arg7[%dma_start3A_308, %dma_start3A_309] : memref<1280x64xf32, #tpu.memory_space<vmem>> -> memref<640x64xf32, #tpu.memory_space<vmem>>
    %dma_start3A_311 = arith.constant 0 : i32
    %dma_start3A_312 = tpu.memref_slice %arg4[%mul3A_307, %dma_start3A_311] : memref<3276800x128xf32, #tpu.memory_space<hbm>> -> memref<640x64xf32, #tpu.memory_space<hbm>>
    %dma_start3A_313 = arith.constant 0 : i32
    %dma_start3A_314 = tpu.memref_slice %arg4[%mul3A_307, %dma_start3A_313] : memref<3276800x128xf32, #tpu.memory_space<hbm>> -> memref<640x64xf32, #tpu.memory_space<hbm>>
    %dma_start3A_315 = arith.constant 640 : i32
    %dma_start3A_316 = arith.constant 0 : i32
    %dma_start3A_317 = tpu.memref_slice %arg7[%dma_start3A_315, %dma_start3A_316] : memref<1280x64xf32, #tpu.memory_space<vmem>> -> memref<640x64xf32, #tpu.memory_space<vmem>>
    tpu.enqueue_dma source(%dma_start3A_317 : memref<640x64xf32, #tpu.memory_space<vmem>>) target(%dma_start3A_314 : memref<640x64xf32, #tpu.memory_space<hbm>>) target_semaphore(%arg10 : memref<!tpu.dma_semaphore, #tpu.memory_space<semaphore_mem>>)
    %scan3A = arith.constant 0 : i32
    %scan3A_318 = arith.constant 0 : i32
    %scan3A_319 = arith.constant 79 : i32
    %scan3A_320 = arith.addi %scan3A_318, %scan3A_319 : i32
    %scan3A_321 = arith.constant 1 : i32
    scf.for %scan3A_359 = %scan3A_318 to %scan3A_320 step %scan3A_321  : i32 {
      %mul3A_360 = arith.constant 2 : i32
      %mul3A_361 = arith.muli %mul3A_360, %scan3A_359 : i32
      %add3A_362 = arith.constant 2 : i32
      %add3A_363 = arith.addi %mul3A_361, %add3A_362 : i32
      %dma_wait3A_364 = arith.constant 0 : i32
      %dma_wait3A_365 = arith.constant 0 : i32
      %dma_wait3A_366 = tpu.memref_slice %arg7[%dma_wait3A_364, %dma_wait3A_365] : memref<1280x64xf32, #tpu.memory_space<vmem>> -> memref<640x64xf32, #tpu.memory_space<vmem>>
      %dma_wait3A_367 = arith.constant 0 : i32
      %dma_wait3A_368 = arith.constant 0 : i32
      %dma_wait3A_369 = tpu.memref_slice %arg4[%dma_wait3A_367, %dma_wait3A_368] : memref<3276800x128xf32, #tpu.memory_space<hbm>> -> memref<640x64xf32, #tpu.memory_space<hbm>>
      %dma_wait3A_370 = arith.constant 0 : i32
      %dma_wait3A_371 = arith.constant 0 : i32
      %dma_wait3A_372 = tpu.memref_slice %arg4[%dma_wait3A_370, %dma_wait3A_371] : memref<3276800x128xf32, #tpu.memory_space<hbm>> -> memref<640x64xf32, #tpu.memory_space<hbm>>
      %dma_wait3A_373 = arith.constant 0 : i32
      %dma_wait3A_374 = arith.constant 0 : i32
      %dma_wait3A_375 = tpu.memref_slice %arg7[%dma_wait3A_373, %dma_wait3A_374] : memref<1280x64xf32, #tpu.memory_space<vmem>> -> memref<640x64xf32, #tpu.memory_space<vmem>>
      tpu.wait_dma2 semaphore(%arg9 : memref<!tpu.dma_semaphore, #tpu.memory_space<semaphore_mem>>) src(%dma_wait3A_375 : memref<640x64xf32, #tpu.memory_space<vmem>>) dst(%dma_wait3A_372 : memref<640x64xf32, #tpu.memory_space<hbm>>)
      %mul3A_376 = arith.constant 800 : i32
      %mul3A_377 = arith.muli %add3A, %mul3A_376 : i32
      %mul3A_378 = arith.constant 5 : i32
      %mul3A_379 = arith.muli %add3A_363, %mul3A_378 : i32
      %add3A_380 = arith.addi %mul3A_377, %mul3A_379 : i32
      %dma_wait3A_381 = arith.constant 0 : i32
      %dma_wait3A_382 = arith.constant 0 : i32
      %dma_wait3A_383 = tpu.memref_slice %arg6[%dma_wait3A_381, %dma_wait3A_382] : memref<10x128xi32, #tpu.memory_space<vmem>> -> memref<5x128xi32, #tpu.memory_space<vmem>>
      %dma_wait3A_384 = arith.constant 0 : i32
      %dma_wait3A_385 = arith.constant 0 : i32
      %dma_wait3A_386 = tpu.memref_slice %arg3[%dma_wait3A_384, %dma_wait3A_385] : memref<25600x128xi32, #tpu.memory_space<hbm>> -> memref<5x128xi32, #tpu.memory_space<hbm>>
      %dma_wait3A_387 = arith.constant 0 : i32
      %dma_wait3A_388 = arith.constant 0 : i32
      %dma_wait3A_389 = tpu.memref_slice %arg6[%dma_wait3A_387, %dma_wait3A_388] : memref<10x128xi32, #tpu.memory_space<vmem>> -> memref<5x128xi32, #tpu.memory_space<vmem>>
      %dma_wait3A_390 = arith.constant 0 : i32
      %dma_wait3A_391 = arith.constant 0 : i32
      %dma_wait3A_392 = tpu.memref_slice %arg3[%dma_wait3A_390, %dma_wait3A_391] : memref<25600x128xi32, #tpu.memory_space<hbm>> -> memref<5x128xi32, #tpu.memory_space<hbm>>
      tpu.wait_dma2 semaphore(%arg11 : memref<!tpu.dma_semaphore, #tpu.memory_space<semaphore_mem>>) src(%dma_wait3A_392 : memref<5x128xi32, #tpu.memory_space<hbm>>) dst(%dma_wait3A_389 : memref<5x128xi32, #tpu.memory_space<vmem>>)
      %add3A_393 = arith.constant 1 : i32
      %add3A_394 = arith.addi %add3A_363, %add3A_393 : i32
      %mul3A_395 = arith.constant 800 : i32
      %mul3A_396 = arith.muli %add3A, %mul3A_395 : i32
      %mul3A_397 = arith.constant 5 : i32
      %mul3A_398 = arith.muli %add3A_394, %mul3A_397 : i32
      %add3A_399 = arith.addi %mul3A_396, %mul3A_398 : i32
      %add3A_400 = arith.constant 1 : i32
      %add3A_401 = arith.addi %add3A, %add3A_400 : i32
      %mul3A_402 = arith.constant 800 : i32
      %mul3A_403 = arith.muli %add3A_401, %mul3A_402 : i32
      %sub3A_404 = arith.constant 5 : i32
      %sub3A_405 = arith.subi %mul3A_403, %sub3A_404 : i32
      %min3A_406 = arith.minsi %add3A_399, %sub3A_405 : i32
      %dma_start3A_407 = arith.constant 5 : i32
      %dma_start3A_408 = arith.constant 0 : i32
      %dma_start3A_409 = tpu.memref_slice %arg6[%dma_start3A_407, %dma_start3A_408] : memref<10x128xi32, #tpu.memory_space<vmem>> -> memref<5x128xi32, #tpu.memory_space<vmem>>
      %dma_start3A_410 = arith.constant 0 : i32
      %dma_start3A_411 = tpu.memref_slice %arg3[%min3A_406, %dma_start3A_410] : memref<25600x128xi32, #tpu.memory_space<hbm>> -> memref<5x128xi32, #tpu.memory_space<hbm>>
      %dma_start3A_412 = arith.constant 5 : i32
      %dma_start3A_413 = arith.constant 0 : i32
      %dma_start3A_414 = tpu.memref_slice %arg6[%dma_start3A_412, %dma_start3A_413] : memref<10x128xi32, #tpu.memory_space<vmem>> -> memref<5x128xi32, #tpu.memory_space<vmem>>
      %dma_start3A_415 = arith.constant 0 : i32
      %dma_start3A_416 = tpu.memref_slice %arg3[%min3A_406, %dma_start3A_415] : memref<25600x128xi32, #tpu.memory_space<hbm>> -> memref<5x128xi32, #tpu.memory_space<hbm>>
      tpu.enqueue_dma source(%dma_start3A_416 : memref<5x128xi32, #tpu.memory_space<hbm>>) target(%dma_start3A_414 : memref<5x128xi32, #tpu.memory_space<vmem>>) target_semaphore(%arg11 : memref<!tpu.dma_semaphore, #tpu.memory_space<semaphore_mem>>)
      %dma_start3A_417 = arith.constant 0 : i32
      %dma_start3A_418 = arith.constant 0 : i32
      %dma_start3A_419 = arith.constant 0 : i32
      %dma_start3A_420 = tpu.memref_slice %arg7[%dma_start3A_418, %dma_start3A_419] : memref<1280x64xf32, #tpu.memory_space<vmem>> -> memref<128x64xf32, #tpu.memory_space<vmem>>
      %dma_start3A_421 = arith.constant 0 : i32
      %dma_start3A_422 = tpu.memref_slice %arg6[%dma_start3A_417, %dma_start3A_421] : memref<10x128xi32, #tpu.memory_space<vmem>> -> memref<1x128xi32, #tpu.memory_space<vmem>>
      %dma_start3A_423 = tpu.memref_squeeze %dma_start3A_422 : memref<1x128xi32, #tpu.memory_space<vmem>> -> memref<128xi32, #tpu.memory_space<vmem>>
      %dma_start3A_424 = arith.constant 0 : i32
      %dma_start3A_425 = arith.constant 0 : i32
      %dma_start3A_426 = tpu.memref_slice %arg5[%dma_start3A_424, %dma_start3A_425] : memref<1000x64xf32, #tpu.memory_space<vmem_shared>> -> memref<1000x64xf32, #tpu.memory_space<vmem_shared>>
      tpu.enqueue_indirect_dma source(%dma_start3A_426 : memref<1000x64xf32, #tpu.memory_space<vmem_shared>>) target(%dma_start3A_420 : memref<128x64xf32, #tpu.memory_space<vmem>>) offsets(%dma_start3A_423 : memref<128xi32, #tpu.memory_space<vmem>>) semaphore(%arg8 : memref<!tpu.dma_semaphore, #tpu.memory_space<semaphore_mem>>)
      %dma_start3A_427 = arith.constant 1 : i32
      %dma_start3A_428 = arith.constant 128 : i32
      %dma_start3A_429 = arith.constant 0 : i32
      %dma_start3A_430 = tpu.memref_slice %arg7[%dma_start3A_428, %dma_start3A_429] : memref<1280x64xf32, #tpu.memory_space<vmem>> -> memref<128x64xf32, #tpu.memory_space<vmem>>
      %dma_start3A_431 = arith.constant 0 : i32
      %dma_start3A_432 = tpu.memref_slice %arg6[%dma_start3A_427, %dma_start3A_431] : memref<10x128xi32, #tpu.memory_space<vmem>> -> memref<1x128xi32, #tpu.memory_space<vmem>>
      %dma_start3A_433 = tpu.memref_squeeze %dma_start3A_432 : memref<1x128xi32, #tpu.memory_space<vmem>> -> memref<128xi32, #tpu.memory_space<vmem>>
      %dma_start3A_434 = arith.constant 0 : i32
      %dma_start3A_435 = arith.constant 0 : i32
      %dma_start3A_436 = tpu.memref_slice %arg5[%dma_start3A_434, %dma_start3A_435] : memref<1000x64xf32, #tpu.memory_space<vmem_shared>> -> memref<1000x64xf32, #tpu.memory_space<vmem_shared>>
      tpu.enqueue_indirect_dma source(%dma_start3A_436 : memref<1000x64xf32, #tpu.memory_space<vmem_shared>>) target(%dma_start3A_430 : memref<128x64xf32, #tpu.memory_space<vmem>>) offsets(%dma_start3A_433 : memref<128xi32, #tpu.memory_space<vmem>>) semaphore(%arg8 : memref<!tpu.dma_semaphore, #tpu.memory_space<semaphore_mem>>)
      %dma_start3A_437 = arith.constant 2 : i32
      %dma_start3A_438 = arith.constant 256 : i32
      %dma_start3A_439 = arith.constant 0 : i32
      %dma_start3A_440 = tpu.memref_slice %arg7[%dma_start3A_438, %dma_start3A_439] : memref<1280x64xf32, #tpu.memory_space<vmem>> -> memref<128x64xf32, #tpu.memory_space<vmem>>
      %dma_start3A_441 = arith.constant 0 : i32
      %dma_start3A_442 = tpu.memref_slice %arg6[%dma_start3A_437, %dma_start3A_441] : memref<10x128xi32, #tpu.memory_space<vmem>> -> memref<1x128xi32, #tpu.memory_space<vmem>>
      %dma_start3A_443 = tpu.memref_squeeze %dma_start3A_442 : memref<1x128xi32, #tpu.memory_space<vmem>> -> memref<128xi32, #tpu.memory_space<vmem>>
      %dma_start3A_444 = arith.constant 0 : i32
      %dma_start3A_445 = arith.constant 0 : i32
      %dma_start3A_446 = tpu.memref_slice %arg5[%dma_start3A_444, %dma_start3A_445] : memref<1000x64xf32, #tpu.memory_space<vmem_shared>> -> memref<1000x64xf32, #tpu.memory_space<vmem_shared>>
      tpu.enqueue_indirect_dma source(%dma_start3A_446 : memref<1000x64xf32, #tpu.memory_space<vmem_shared>>) target(%dma_start3A_440 : memref<128x64xf32, #tpu.memory_space<vmem>>) offsets(%dma_start3A_443 : memref<128xi32, #tpu.memory_space<vmem>>) semaphore(%arg8 : memref<!tpu.dma_semaphore, #tpu.memory_space<semaphore_mem>>)
      %dma_start3A_447 = arith.constant 3 : i32
      %dma_start3A_448 = arith.constant 384 : i32
      %dma_start3A_449 = arith.constant 0 : i32
      %dma_start3A_450 = tpu.memref_slice %arg7[%dma_start3A_448, %dma_start3A_449] : memref<1280x64xf32, #tpu.memory_space<vmem>> -> memref<128x64xf32, #tpu.memory_space<vmem>>
      %dma_start3A_451 = arith.constant 0 : i32
      %dma_start3A_452 = tpu.memref_slice %arg6[%dma_start3A_447, %dma_start3A_451] : memref<10x128xi32, #tpu.memory_space<vmem>> -> memref<1x128xi32, #tpu.memory_space<vmem>>
      %dma_start3A_453 = tpu.memref_squeeze %dma_start3A_452 : memref<1x128xi32, #tpu.memory_space<vmem>> -> memref<128xi32, #tpu.memory_space<vmem>>
      %dma_start3A_454 = arith.constant 0 : i32
      %dma_start3A_455 = arith.constant 0 : i32
      %dma_start3A_456 = tpu.memref_slice %arg5[%dma_start3A_454, %dma_start3A_455] : memref<1000x64xf32, #tpu.memory_space<vmem_shared>> -> memref<1000x64xf32, #tpu.memory_space<vmem_shared>>
      tpu.enqueue_indirect_dma source(%dma_start3A_456 : memref<1000x64xf32, #tpu.memory_space<vmem_shared>>) target(%dma_start3A_450 : memref<128x64xf32, #tpu.memory_space<vmem>>) offsets(%dma_start3A_453 : memref<128xi32, #tpu.memory_space<vmem>>) semaphore(%arg8 : memref<!tpu.dma_semaphore, #tpu.memory_space<semaphore_mem>>)
      %dma_start3A_457 = arith.constant 4 : i32
      %dma_start3A_458 = arith.constant 512 : i32
      %dma_start3A_459 = arith.constant 0 : i32
      %dma_start3A_460 = tpu.memref_slice %arg7[%dma_start3A_458, %dma_start3A_459] : memref<1280x64xf32, #tpu.memory_space<vmem>> -> memref<128x64xf32, #tpu.memory_space<vmem>>
      %dma_start3A_461 = arith.constant 0 : i32
      %dma_start3A_462 = tpu.memref_slice %arg6[%dma_start3A_457, %dma_start3A_461] : memref<10x128xi32, #tpu.memory_space<vmem>> -> memref<1x128xi32, #tpu.memory_space<vmem>>
      %dma_start3A_463 = tpu.memref_squeeze %dma_start3A_462 : memref<1x128xi32, #tpu.memory_space<vmem>> -> memref<128xi32, #tpu.memory_space<vmem>>
      %dma_start3A_464 = arith.constant 0 : i32
      %dma_start3A_465 = arith.constant 0 : i32
      %dma_start3A_466 = tpu.memref_slice %arg5[%dma_start3A_464, %dma_start3A_465] : memref<1000x64xf32, #tpu.memory_space<vmem_shared>> -> memref<1000x64xf32, #tpu.memory_space<vmem_shared>>
      tpu.enqueue_indirect_dma source(%dma_start3A_466 : memref<1000x64xf32, #tpu.memory_space<vmem_shared>>) target(%dma_start3A_460 : memref<128x64xf32, #tpu.memory_space<vmem>>) offsets(%dma_start3A_463 : memref<128xi32, #tpu.memory_space<vmem>>) semaphore(%arg8 : memref<!tpu.dma_semaphore, #tpu.memory_space<semaphore_mem>>)
      %dma_wait3A_467 = arith.constant 0 : i32
      %dma_wait3A_468 = arith.constant 0 : i32
      %dma_wait3A_469 = arith.constant 0 : i32
      %dma_wait3A_470 = tpu.memref_slice %arg7[%dma_wait3A_468, %dma_wait3A_469] : memref<1280x64xf32, #tpu.memory_space<vmem>> -> memref<128x64xf32, #tpu.memory_space<vmem>>
      %dma_wait3A_471 = arith.constant 0 : i32
      %dma_wait3A_472 = tpu.memref_slice %arg6[%dma_wait3A_467, %dma_wait3A_471] : memref<10x128xi32, #tpu.memory_space<vmem>> -> memref<1x128xi32, #tpu.memory_space<vmem>>
      %dma_wait3A_473 = tpu.memref_squeeze %dma_wait3A_472 : memref<1x128xi32, #tpu.memory_space<vmem>> -> memref<128xi32, #tpu.memory_space<vmem>>
      %dma_wait3A_474 = arith.constant 0 : i32
      %dma_wait3A_475 = arith.constant 0 : i32
      %dma_wait3A_476 = tpu.memref_slice %arg5[%dma_wait3A_474, %dma_wait3A_475] : memref<1000x64xf32, #tpu.memory_space<vmem_shared>> -> memref<1000x64xf32, #tpu.memory_space<vmem_shared>>
      tpu.wait_indirect_dma semaphore(%arg8 : memref<!tpu.dma_semaphore, #tpu.memory_space<semaphore_mem>>) src(%dma_wait3A_476 : memref<1000x64xf32, #tpu.memory_space<vmem_shared>>) dst(%dma_wait3A_470 : memref<128x64xf32, #tpu.memory_space<vmem>>)
      %dma_wait3A_477 = arith.constant 1 : i32
      %dma_wait3A_478 = arith.constant 128 : i32
      %dma_wait3A_479 = arith.constant 0 : i32
      %dma_wait3A_480 = tpu.memref_slice %arg7[%dma_wait3A_478, %dma_wait3A_479] : memref<1280x64xf32, #tpu.memory_space<vmem>> -> memref<128x64xf32, #tpu.memory_space<vmem>>
      %dma_wait3A_481 = arith.constant 0 : i32
      %dma_wait3A_482 = tpu.memref_slice %arg6[%dma_wait3A_477, %dma_wait3A_481] : memref<10x128xi32, #tpu.memory_space<vmem>> -> memref<1x128xi32, #tpu.memory_space<vmem>>
      %dma_wait3A_483 = tpu.memref_squeeze %dma_wait3A_482 : memref<1x128xi32, #tpu.memory_space<vmem>> -> memref<128xi32, #tpu.memory_space<vmem>>
      %dma_wait3A_484 = arith.constant 0 : i32
      %dma_wait3A_485 = arith.constant 0 : i32
      %dma_wait3A_486 = tpu.memref_slice %arg5[%dma_wait3A_484, %dma_wait3A_485] : memref<1000x64xf32, #tpu.memory_space<vmem_shared>> -> memref<1000x64xf32, #tpu.memory_space<vmem_shared>>
      tpu.wait_indirect_dma semaphore(%arg8 : memref<!tpu.dma_semaphore, #tpu.memory_space<semaphore_mem>>) src(%dma_wait3A_486 : memref<1000x64xf32, #tpu.memory_space<vmem_shared>>) dst(%dma_wait3A_480 : memref<128x64xf32, #tpu.memory_space<vmem>>)
      %dma_wait3A_487 = arith.constant 2 : i32
      %dma_wait3A_488 = arith.constant 256 : i32
      %dma_wait3A_489 = arith.constant 0 : i32
      %dma_wait3A_490 = tpu.memref_slice %arg7[%dma_wait3A_488, %dma_wait3A_489] : memref<1280x64xf32, #tpu.memory_space<vmem>> -> memref<128x64xf32, #tpu.memory_space<vmem>>
      %dma_wait3A_491 = arith.constant 0 : i32
      %dma_wait3A_492 = tpu.memref_slice %arg6[%dma_wait3A_487, %dma_wait3A_491] : memref<10x128xi32, #tpu.memory_space<vmem>> -> memref<1x128xi32, #tpu.memory_space<vmem>>
      %dma_wait3A_493 = tpu.memref_squeeze %dma_wait3A_492 : memref<1x128xi32, #tpu.memory_space<vmem>> -> memref<128xi32, #tpu.memory_space<vmem>>
      %dma_wait3A_494 = arith.constant 0 : i32
      %dma_wait3A_495 = arith.constant 0 : i32
      %dma_wait3A_496 = tpu.memref_slice %arg5[%dma_wait3A_494, %dma_wait3A_495] : memref<1000x64xf32, #tpu.memory_space<vmem_shared>> -> memref<1000x64xf32, #tpu.memory_space<vmem_shared>>
      tpu.wait_indirect_dma semaphore(%arg8 : memref<!tpu.dma_semaphore, #tpu.memory_space<semaphore_mem>>) src(%dma_wait3A_496 : memref<1000x64xf32, #tpu.memory_space<vmem_shared>>) dst(%dma_wait3A_490 : memref<128x64xf32, #tpu.memory_space<vmem>>)
      %dma_wait3A_497 = arith.constant 3 : i32
      %dma_wait3A_498 = arith.constant 384 : i32
      %dma_wait3A_499 = arith.constant 0 : i32
      %dma_wait3A_500 = tpu.memref_slice %arg7[%dma_wait3A_498, %dma_wait3A_499] : memref<1280x64xf32, #tpu.memory_space<vmem>> -> memref<128x64xf32, #tpu.memory_space<vmem>>
      %dma_wait3A_501 = arith.constant 0 : i32
      %dma_wait3A_502 = tpu.memref_slice %arg6[%dma_wait3A_497, %dma_wait3A_501] : memref<10x128xi32, #tpu.memory_space<vmem>> -> memref<1x128xi32, #tpu.memory_space<vmem>>
      %dma_wait3A_503 = tpu.memref_squeeze %dma_wait3A_502 : memref<1x128xi32, #tpu.memory_space<vmem>> -> memref<128xi32, #tpu.memory_space<vmem>>
      %dma_wait3A_504 = arith.constant 0 : i32
      %dma_wait3A_505 = arith.constant 0 : i32
      %dma_wait3A_506 = tpu.memref_slice %arg5[%dma_wait3A_504, %dma_wait3A_505] : memref<1000x64xf32, #tpu.memory_space<vmem_shared>> -> memref<1000x64xf32, #tpu.memory_space<vmem_shared>>
      tpu.wait_indirect_dma semaphore(%arg8 : memref<!tpu.dma_semaphore, #tpu.memory_space<semaphore_mem>>) src(%dma_wait3A_506 : memref<1000x64xf32, #tpu.memory_space<vmem_shared>>) dst(%dma_wait3A_500 : memref<128x64xf32, #tpu.memory_space<vmem>>)
      %dma_wait3A_507 = arith.constant 4 : i32
      %dma_wait3A_508 = arith.constant 512 : i32
      %dma_wait3A_509 = arith.constant 0 : i32
      %dma_wait3A_510 = tpu.memref_slice %arg7[%dma_wait3A_508, %dma_wait3A_509] : memref<1280x64xf32, #tpu.memory_space<vmem>> -> memref<128x64xf32, #tpu.memory_space<vmem>>
      %dma_wait3A_511 = arith.constant 0 : i32
      %dma_wait3A_512 = tpu.memref_slice %arg6[%dma_wait3A_507, %dma_wait3A_511] : memref<10x128xi32, #tpu.memory_space<vmem>> -> memref<1x128xi32, #tpu.memory_space<vmem>>
      %dma_wait3A_513 = tpu.memref_squeeze %dma_wait3A_512 : memref<1x128xi32, #tpu.memory_space<vmem>> -> memref<128xi32, #tpu.memory_space<vmem>>
      %dma_wait3A_514 = arith.constant 0 : i32
      %dma_wait3A_515 = arith.constant 0 : i32
      %dma_wait3A_516 = tpu.memref_slice %arg5[%dma_wait3A_514, %dma_wait3A_515] : memref<1000x64xf32, #tpu.memory_space<vmem_shared>> -> memref<1000x64xf32, #tpu.memory_space<vmem_shared>>
      tpu.wait_indirect_dma semaphore(%arg8 : memref<!tpu.dma_semaphore, #tpu.memory_space<semaphore_mem>>) src(%dma_wait3A_516 : memref<1000x64xf32, #tpu.memory_space<vmem_shared>>) dst(%dma_wait3A_510 : memref<128x64xf32, #tpu.memory_space<vmem>>)
      %mul3A_517 = arith.constant 128 : i32
      %mul3A_518 = arith.muli %add3A_380, %mul3A_517 : i32
      %dma_start3A_519 = arith.constant 0 : i32
      %dma_start3A_520 = arith.constant 0 : i32
      %dma_start3A_521 = tpu.memref_slice %arg7[%dma_start3A_519, %dma_start3A_520] : memref<1280x64xf32, #tpu.memory_space<vmem>> -> memref<640x64xf32, #tpu.memory_space<vmem>>
      %dma_start3A_522 = arith.constant 0 : i32
      %dma_start3A_523 = tpu.memref_slice %arg4[%mul3A_518, %dma_start3A_522] : memref<3276800x128xf32, #tpu.memory_space<hbm>> -> memref<640x64xf32, #tpu.memory_space<hbm>>
      %dma_start3A_524 = arith.constant 0 : i32
      %dma_start3A_525 = tpu.memref_slice %arg4[%mul3A_518, %dma_start3A_524] : memref<3276800x128xf32, #tpu.memory_space<hbm>> -> memref<640x64xf32, #tpu.memory_space<hbm>>
      %dma_start3A_526 = arith.constant 0 : i32
      %dma_start3A_527 = arith.constant 0 : i32
      %dma_start3A_528 = tpu.memref_slice %arg7[%dma_start3A_526, %dma_start3A_527] : memref<1280x64xf32, #tpu.memory_space<vmem>> -> memref<640x64xf32, #tpu.memory_space<vmem>>
      tpu.enqueue_dma source(%dma_start3A_528 : memref<640x64xf32, #tpu.memory_space<vmem>>) target(%dma_start3A_525 : memref<640x64xf32, #tpu.memory_space<hbm>>) target_semaphore(%arg9 : memref<!tpu.dma_semaphore, #tpu.memory_space<semaphore_mem>>)
      %dma_wait3A_529 = arith.constant 640 : i32
      %dma_wait3A_530 = arith.constant 0 : i32
      %dma_wait3A_531 = tpu.memref_slice %arg7[%dma_wait3A_529, %dma_wait3A_530] : memref<1280x64xf32, #tpu.memory_space<vmem>> -> memref<640x64xf32, #tpu.memory_space<vmem>>
      %dma_wait3A_532 = arith.constant 0 : i32
      %dma_wait3A_533 = arith.constant 0 : i32
      %dma_wait3A_534 = tpu.memref_slice %arg4[%dma_wait3A_532, %dma_wait3A_533] : memref<3276800x128xf32, #tpu.memory_space<hbm>> -> memref<640x64xf32, #tpu.memory_space<hbm>>
      %dma_wait3A_535 = arith.constant 0 : i32
      %dma_wait3A_536 = arith.constant 0 : i32
      %dma_wait3A_537 = tpu.memref_slice %arg4[%dma_wait3A_535, %dma_wait3A_536] : memref<3276800x128xf32, #tpu.memory_space<hbm>> -> memref<640x64xf32, #tpu.memory_space<hbm>>
      %dma_wait3A_538 = arith.constant 640 : i32
      %dma_wait3A_539 = arith.constant 0 : i32
      %dma_wait3A_540 = tpu.memref_slice %arg7[%dma_wait3A_538, %dma_wait3A_539] : memref<1280x64xf32, #tpu.memory_space<vmem>> -> memref<640x64xf32, #tpu.memory_space<vmem>>
      tpu.wait_dma2 semaphore(%arg10 : memref<!tpu.dma_semaphore, #tpu.memory_space<semaphore_mem>>) src(%dma_wait3A_540 : memref<640x64xf32, #tpu.memory_space<vmem>>) dst(%dma_wait3A_537 : memref<640x64xf32, #tpu.memory_space<hbm>>)
      %add3A_541 = arith.constant 1 : i32
      %add3A_542 = arith.addi %add3A_363, %add3A_541 : i32
      %mul3A_543 = arith.constant 800 : i32
      %mul3A_544 = arith.muli %add3A, %mul3A_543 : i32
      %mul3A_545 = arith.constant 5 : i32
      %mul3A_546 = arith.muli %add3A_542, %mul3A_545 : i32
      %add3A_547 = arith.addi %mul3A_544, %mul3A_546 : i32
      %dma_wait3A_548 = arith.constant 5 : i32
      %dma_wait3A_549 = arith.constant 0 : i32
      %dma_wait3A_550 = tpu.memref_slice %arg6[%dma_wait3A_548, %dma_wait3A_549] : memref<10x128xi32, #tpu.memory_space<vmem>> -> memref<5x128xi32, #tpu.memory_space<vmem>>
      %dma_wait3A_551 = arith.constant 0 : i32
      %dma_wait3A_552 = arith.constant 0 : i32
      %dma_wait3A_553 = tpu.memref_slice %arg3[%dma_wait3A_551, %dma_wait3A_552] : memref<25600x128xi32, #tpu.memory_space<hbm>> -> memref<5x128xi32, #tpu.memory_space<hbm>>
      %dma_wait3A_554 = arith.constant 5 : i32
      %dma_wait3A_555 = arith.constant 0 : i32
      %dma_wait3A_556 = tpu.memref_slice %arg6[%dma_wait3A_554, %dma_wait3A_555] : memref<10x128xi32, #tpu.memory_space<vmem>> -> memref<5x128xi32, #tpu.memory_space<vmem>>
      %dma_wait3A_557 = arith.constant 0 : i32
      %dma_wait3A_558 = arith.constant 0 : i32
      %dma_wait3A_559 = tpu.memref_slice %arg3[%dma_wait3A_557, %dma_wait3A_558] : memref<25600x128xi32, #tpu.memory_space<hbm>> -> memref<5x128xi32, #tpu.memory_space<hbm>>
      tpu.wait_dma2 semaphore(%arg11 : memref<!tpu.dma_semaphore, #tpu.memory_space<semaphore_mem>>) src(%dma_wait3A_559 : memref<5x128xi32, #tpu.memory_space<hbm>>) dst(%dma_wait3A_556 : memref<5x128xi32, #tpu.memory_space<vmem>>)
      %add3A_560 = arith.constant 1 : i32
      %add3A_561 = arith.addi %add3A_542, %add3A_560 : i32
      %mul3A_562 = arith.constant 800 : i32
      %mul3A_563 = arith.muli %add3A, %mul3A_562 : i32
      %mul3A_564 = arith.constant 5 : i32
      %mul3A_565 = arith.muli %add3A_561, %mul3A_564 : i32
      %add3A_566 = arith.addi %mul3A_563, %mul3A_565 : i32
      %add3A_567 = arith.constant 1 : i32
      %add3A_568 = arith.addi %add3A, %add3A_567 : i32
      %mul3A_569 = arith.constant 800 : i32
      %mul3A_570 = arith.muli %add3A_568, %mul3A_569 : i32
      %sub3A_571 = arith.constant 5 : i32
      %sub3A_572 = arith.subi %mul3A_570, %sub3A_571 : i32
      %min3A_573 = arith.minsi %add3A_566, %sub3A_572 : i32
      %dma_start3A_574 = arith.constant 0 : i32
      %dma_start3A_575 = arith.constant 0 : i32
      %dma_start3A_576 = tpu.memref_slice %arg6[%dma_start3A_574, %dma_start3A_575] : memref<10x128xi32, #tpu.memory_space<vmem>> -> memref<5x128xi32, #tpu.memory_space<vmem>>
      %dma_start3A_577 = arith.constant 0 : i32
      %dma_start3A_578 = tpu.memref_slice %arg3[%min3A_573, %dma_start3A_577] : memref<25600x128xi32, #tpu.memory_space<hbm>> -> memref<5x128xi32, #tpu.memory_space<hbm>>
      %dma_start3A_579 = arith.constant 0 : i32
      %dma_start3A_580 = arith.constant 0 : i32
      %dma_start3A_581 = tpu.memref_slice %arg6[%dma_start3A_579, %dma_start3A_580] : memref<10x128xi32, #tpu.memory_space<vmem>> -> memref<5x128xi32, #tpu.memory_space<vmem>>
      %dma_start3A_582 = arith.constant 0 : i32
      %dma_start3A_583 = tpu.memref_slice %arg3[%min3A_573, %dma_start3A_582] : memref<25600x128xi32, #tpu.memory_space<hbm>> -> memref<5x128xi32, #tpu.memory_space<hbm>>
      tpu.enqueue_dma source(%dma_start3A_583 : memref<5x128xi32, #tpu.memory_space<hbm>>) target(%dma_start3A_581 : memref<5x128xi32, #tpu.memory_space<vmem>>) target_semaphore(%arg11 : memref<!tpu.dma_semaphore, #tpu.memory_space<semaphore_mem>>)
      %dma_start3A_584 = arith.constant 5 : i32
      %dma_start3A_585 = arith.constant 640 : i32
      %dma_start3A_586 = arith.constant 0 : i32
      %dma_start3A_587 = tpu.memref_slice %arg7[%dma_start3A_585, %dma_start3A_586] : memref<1280x64xf32, #tpu.memory_space<vmem>> -> memref<128x64xf32, #tpu.memory_space<vmem>>
      %dma_start3A_588 = arith.constant 0 : i32
      %dma_start3A_589 = tpu.memref_slice %arg6[%dma_start3A_584, %dma_start3A_588] : memref<10x128xi32, #tpu.memory_space<vmem>> -> memref<1x128xi32, #tpu.memory_space<vmem>>
      %dma_start3A_590 = tpu.memref_squeeze %dma_start3A_589 : memref<1x128xi32, #tpu.memory_space<vmem>> -> memref<128xi32, #tpu.memory_space<vmem>>
      %dma_start3A_591 = arith.constant 0 : i32
      %dma_start3A_592 = arith.constant 0 : i32
      %dma_start3A_593 = tpu.memref_slice %arg5[%dma_start3A_591, %dma_start3A_592] : memref<1000x64xf32, #tpu.memory_space<vmem_shared>> -> memref<1000x64xf32, #tpu.memory_space<vmem_shared>>
      tpu.enqueue_indirect_dma source(%dma_start3A_593 : memref<1000x64xf32, #tpu.memory_space<vmem_shared>>) target(%dma_start3A_587 : memref<128x64xf32, #tpu.memory_space<vmem>>) offsets(%dma_start3A_590 : memref<128xi32, #tpu.memory_space<vmem>>) semaphore(%arg8 : memref<!tpu.dma_semaphore, #tpu.memory_space<semaphore_mem>>)
      %dma_start3A_594 = arith.constant 6 : i32
      %dma_start3A_595 = arith.constant 768 : i32
      %dma_start3A_596 = arith.constant 0 : i32
      %dma_start3A_597 = tpu.memref_slice %arg7[%dma_start3A_595, %dma_start3A_596] : memref<1280x64xf32, #tpu.memory_space<vmem>> -> memref<128x64xf32, #tpu.memory_space<vmem>>
      %dma_start3A_598 = arith.constant 0 : i32
      %dma_start3A_599 = tpu.memref_slice %arg6[%dma_start3A_594, %dma_start3A_598] : memref<10x128xi32, #tpu.memory_space<vmem>> -> memref<1x128xi32, #tpu.memory_space<vmem>>
      %dma_start3A_600 = tpu.memref_squeeze %dma_start3A_599 : memref<1x128xi32, #tpu.memory_space<vmem>> -> memref<128xi32, #tpu.memory_space<vmem>>
      %dma_start3A_601 = arith.constant 0 : i32
      %dma_start3A_602 = arith.constant 0 : i32
      %dma_start3A_603 = tpu.memref_slice %arg5[%dma_start3A_601, %dma_start3A_602] : memref<1000x64xf32, #tpu.memory_space<vmem_shared>> -> memref<1000x64xf32, #tpu.memory_space<vmem_shared>>
      tpu.enqueue_indirect_dma source(%dma_start3A_603 : memref<1000x64xf32, #tpu.memory_space<vmem_shared>>) target(%dma_start3A_597 : memref<128x64xf32, #tpu.memory_space<vmem>>) offsets(%dma_start3A_600 : memref<128xi32, #tpu.memory_space<vmem>>) semaphore(%arg8 : memref<!tpu.dma_semaphore, #tpu.memory_space<semaphore_mem>>)
      %dma_start3A_604 = arith.constant 7 : i32
      %dma_start3A_605 = arith.constant 896 : i32
      %dma_start3A_606 = arith.constant 0 : i32
      %dma_start3A_607 = tpu.memref_slice %arg7[%dma_start3A_605, %dma_start3A_606] : memref<1280x64xf32, #tpu.memory_space<vmem>> -> memref<128x64xf32, #tpu.memory_space<vmem>>
      %dma_start3A_608 = arith.constant 0 : i32
      %dma_start3A_609 = tpu.memref_slice %arg6[%dma_start3A_604, %dma_start3A_608] : memref<10x128xi32, #tpu.memory_space<vmem>> -> memref<1x128xi32, #tpu.memory_space<vmem>>
      %dma_start3A_610 = tpu.memref_squeeze %dma_start3A_609 : memref<1x128xi32, #tpu.memory_space<vmem>> -> memref<128xi32, #tpu.memory_space<vmem>>
      %dma_start3A_611 = arith.constant 0 : i32
      %dma_start3A_612 = arith.constant 0 : i32
      %dma_start3A_613 = tpu.memref_slice %arg5[%dma_start3A_611, %dma_start3A_612] : memref<1000x64xf32, #tpu.memory_space<vmem_shared>> -> memref<1000x64xf32, #tpu.memory_space<vmem_shared>>
      tpu.enqueue_indirect_dma source(%dma_start3A_613 : memref<1000x64xf32, #tpu.memory_space<vmem_shared>>) target(%dma_start3A_607 : memref<128x64xf32, #tpu.memory_space<vmem>>) offsets(%dma_start3A_610 : memref<128xi32, #tpu.memory_space<vmem>>) semaphore(%arg8 : memref<!tpu.dma_semaphore, #tpu.memory_space<semaphore_mem>>)
      %dma_start3A_614 = arith.constant 8 : i32
      %dma_start3A_615 = arith.constant 1024 : i32
      %dma_start3A_616 = arith.constant 0 : i32
      %dma_start3A_617 = tpu.memref_slice %arg7[%dma_start3A_615, %dma_start3A_616] : memref<1280x64xf32, #tpu.memory_space<vmem>> -> memref<128x64xf32, #tpu.memory_space<vmem>>
      %dma_start3A_618 = arith.constant 0 : i32
      %dma_start3A_619 = tpu.memref_slice %arg6[%dma_start3A_614, %dma_start3A_618] : memref<10x128xi32, #tpu.memory_space<vmem>> -> memref<1x128xi32, #tpu.memory_space<vmem>>
      %dma_start3A_620 = tpu.memref_squeeze %dma_start3A_619 : memref<1x128xi32, #tpu.memory_space<vmem>> -> memref<128xi32, #tpu.memory_space<vmem>>
      %dma_start3A_621 = arith.constant 0 : i32
      %dma_start3A_622 = arith.constant 0 : i32
      %dma_start3A_623 = tpu.memref_slice %arg5[%dma_start3A_621, %dma_start3A_622] : memref<1000x64xf32, #tpu.memory_space<vmem_shared>> -> memref<1000x64xf32, #tpu.memory_space<vmem_shared>>
      tpu.enqueue_indirect_dma source(%dma_start3A_623 : memref<1000x64xf32, #tpu.memory_space<vmem_shared>>) target(%dma_start3A_617 : memref<128x64xf32, #tpu.memory_space<vmem>>) offsets(%dma_start3A_620 : memref<128xi32, #tpu.memory_space<vmem>>) semaphore(%arg8 : memref<!tpu.dma_semaphore, #tpu.memory_space<semaphore_mem>>)
      %dma_start3A_624 = arith.constant 9 : i32
      %dma_start3A_625 = arith.constant 1152 : i32
      %dma_start3A_626 = arith.constant 0 : i32
      %dma_start3A_627 = tpu.memref_slice %arg7[%dma_start3A_625, %dma_start3A_626] : memref<1280x64xf32, #tpu.memory_space<vmem>> -> memref<128x64xf32, #tpu.memory_space<vmem>>
      %dma_start3A_628 = arith.constant 0 : i32
      %dma_start3A_629 = tpu.memref_slice %arg6[%dma_start3A_624, %dma_start3A_628] : memref<10x128xi32, #tpu.memory_space<vmem>> -> memref<1x128xi32, #tpu.memory_space<vmem>>
      %dma_start3A_630 = tpu.memref_squeeze %dma_start3A_629 : memref<1x128xi32, #tpu.memory_space<vmem>> -> memref<128xi32, #tpu.memory_space<vmem>>
      %dma_start3A_631 = arith.constant 0 : i32
      %dma_start3A_632 = arith.constant 0 : i32
      %dma_start3A_633 = tpu.memref_slice %arg5[%dma_start3A_631, %dma_start3A_632] : memref<1000x64xf32, #tpu.memory_space<vmem_shared>> -> memref<1000x64xf32, #tpu.memory_space<vmem_shared>>
      tpu.enqueue_indirect_dma source(%dma_start3A_633 : memref<1000x64xf32, #tpu.memory_space<vmem_shared>>) target(%dma_start3A_627 : memref<128x64xf32, #tpu.memory_space<vmem>>) offsets(%dma_start3A_630 : memref<128xi32, #tpu.memory_space<vmem>>) semaphore(%arg8 : memref<!tpu.dma_semaphore, #tpu.memory_space<semaphore_mem>>)
      %dma_wait3A_634 = arith.constant 5 : i32
      %dma_wait3A_635 = arith.constant 640 : i32
      %dma_wait3A_636 = arith.constant 0 : i32
      %dma_wait3A_637 = tpu.memref_slice %arg7[%dma_wait3A_635, %dma_wait3A_636] : memref<1280x64xf32, #tpu.memory_space<vmem>> -> memref<128x64xf32, #tpu.memory_space<vmem>>
      %dma_wait3A_638 = arith.constant 0 : i32
      %dma_wait3A_639 = tpu.memref_slice %arg6[%dma_wait3A_634, %dma_wait3A_638] : memref<10x128xi32, #tpu.memory_space<vmem>> -> memref<1x128xi32, #tpu.memory_space<vmem>>
      %dma_wait3A_640 = tpu.memref_squeeze %dma_wait3A_639 : memref<1x128xi32, #tpu.memory_space<vmem>> -> memref<128xi32, #tpu.memory_space<vmem>>
      %dma_wait3A_641 = arith.constant 0 : i32
      %dma_wait3A_642 = arith.constant 0 : i32
      %dma_wait3A_643 = tpu.memref_slice %arg5[%dma_wait3A_641, %dma_wait3A_642] : memref<1000x64xf32, #tpu.memory_space<vmem_shared>> -> memref<1000x64xf32, #tpu.memory_space<vmem_shared>>
      tpu.wait_indirect_dma semaphore(%arg8 : memref<!tpu.dma_semaphore, #tpu.memory_space<semaphore_mem>>) src(%dma_wait3A_643 : memref<1000x64xf32, #tpu.memory_space<vmem_shared>>) dst(%dma_wait3A_637 : memref<128x64xf32, #tpu.memory_space<vmem>>)
      %dma_wait3A_644 = arith.constant 6 : i32
      %dma_wait3A_645 = arith.constant 768 : i32
      %dma_wait3A_646 = arith.constant 0 : i32
      %dma_wait3A_647 = tpu.memref_slice %arg7[%dma_wait3A_645, %dma_wait3A_646] : memref<1280x64xf32, #tpu.memory_space<vmem>> -> memref<128x64xf32, #tpu.memory_space<vmem>>
      %dma_wait3A_648 = arith.constant 0 : i32
      %dma_wait3A_649 = tpu.memref_slice %arg6[%dma_wait3A_644, %dma_wait3A_648] : memref<10x128xi32, #tpu.memory_space<vmem>> -> memref<1x128xi32, #tpu.memory_space<vmem>>
      %dma_wait3A_650 = tpu.memref_squeeze %dma_wait3A_649 : memref<1x128xi32, #tpu.memory_space<vmem>> -> memref<128xi32, #tpu.memory_space<vmem>>
      %dma_wait3A_651 = arith.constant 0 : i32
      %dma_wait3A_652 = arith.constant 0 : i32
      %dma_wait3A_653 = tpu.memref_slice %arg5[%dma_wait3A_651, %dma_wait3A_652] : memref<1000x64xf32, #tpu.memory_space<vmem_shared>> -> memref<1000x64xf32, #tpu.memory_space<vmem_shared>>
      tpu.wait_indirect_dma semaphore(%arg8 : memref<!tpu.dma_semaphore, #tpu.memory_space<semaphore_mem>>) src(%dma_wait3A_653 : memref<1000x64xf32, #tpu.memory_space<vmem_shared>>) dst(%dma_wait3A_647 : memref<128x64xf32, #tpu.memory_space<vmem>>)
      %dma_wait3A_654 = arith.constant 7 : i32
      %dma_wait3A_655 = arith.constant 896 : i32
      %dma_wait3A_656 = arith.constant 0 : i32
      %dma_wait3A_657 = tpu.memref_slice %arg7[%dma_wait3A_655, %dma_wait3A_656] : memref<1280x64xf32, #tpu.memory_space<vmem>> -> memref<128x64xf32, #tpu.memory_space<vmem>>
      %dma_wait3A_658 = arith.constant 0 : i32
      %dma_wait3A_659 = tpu.memref_slice %arg6[%dma_wait3A_654, %dma_wait3A_658] : memref<10x128xi32, #tpu.memory_space<vmem>> -> memref<1x128xi32, #tpu.memory_space<vmem>>
      %dma_wait3A_660 = tpu.memref_squeeze %dma_wait3A_659 : memref<1x128xi32, #tpu.memory_space<vmem>> -> memref<128xi32, #tpu.memory_space<vmem>>
      %dma_wait3A_661 = arith.constant 0 : i32
      %dma_wait3A_662 = arith.constant 0 : i32
      %dma_wait3A_663 = tpu.memref_slice %arg5[%dma_wait3A_661, %dma_wait3A_662] : memref<1000x64xf32, #tpu.memory_space<vmem_shared>> -> memref<1000x64xf32, #tpu.memory_space<vmem_shared>>
      tpu.wait_indirect_dma semaphore(%arg8 : memref<!tpu.dma_semaphore, #tpu.memory_space<semaphore_mem>>) src(%dma_wait3A_663 : memref<1000x64xf32, #tpu.memory_space<vmem_shared>>) dst(%dma_wait3A_657 : memref<128x64xf32, #tpu.memory_space<vmem>>)
      %dma_wait3A_664 = arith.constant 8 : i32
      %dma_wait3A_665 = arith.constant 1024 : i32
      %dma_wait3A_666 = arith.constant 0 : i32
      %dma_wait3A_667 = tpu.memref_slice %arg7[%dma_wait3A_665, %dma_wait3A_666] : memref<1280x64xf32, #tpu.memory_space<vmem>> -> memref<128x64xf32, #tpu.memory_space<vmem>>
      %dma_wait3A_668 = arith.constant 0 : i32
      %dma_wait3A_669 = tpu.memref_slice %arg6[%dma_wait3A_664, %dma_wait3A_668] : memref<10x128xi32, #tpu.memory_space<vmem>> -> memref<1x128xi32, #tpu.memory_space<vmem>>
      %dma_wait3A_670 = tpu.memref_squeeze %dma_wait3A_669 : memref<1x128xi32, #tpu.memory_space<vmem>> -> memref<128xi32, #tpu.memory_space<vmem>>
      %dma_wait3A_671 = arith.constant 0 : i32
      %dma_wait3A_672 = arith.constant 0 : i32
      %dma_wait3A_673 = tpu.memref_slice %arg5[%dma_wait3A_671, %dma_wait3A_672] : memref<1000x64xf32, #tpu.memory_space<vmem_shared>> -> memref<1000x64xf32, #tpu.memory_space<vmem_shared>>
      tpu.wait_indirect_dma semaphore(%arg8 : memref<!tpu.dma_semaphore, #tpu.memory_space<semaphore_mem>>) src(%dma_wait3A_673 : memref<1000x64xf32, #tpu.memory_space<vmem_shared>>) dst(%dma_wait3A_667 : memref<128x64xf32, #tpu.memory_space<vmem>>)
      %dma_wait3A_674 = arith.constant 9 : i32
      %dma_wait3A_675 = arith.constant 1152 : i32
      %dma_wait3A_676 = arith.constant 0 : i32
      %dma_wait3A_677 = tpu.memref_slice %arg7[%dma_wait3A_675, %dma_wait3A_676] : memref<1280x64xf32, #tpu.memory_space<vmem>> -> memref<128x64xf32, #tpu.memory_space<vmem>>
      %dma_wait3A_678 = arith.constant 0 : i32
      %dma_wait3A_679 = tpu.memref_slice %arg6[%dma_wait3A_674, %dma_wait3A_678] : memref<10x128xi32, #tpu.memory_space<vmem>> -> memref<1x128xi32, #tpu.memory_space<vmem>>
      %dma_wait3A_680 = tpu.memref_squeeze %dma_wait3A_679 : memref<1x128xi32, #tpu.memory_space<vmem>> -> memref<128xi32, #tpu.memory_space<vmem>>
      %dma_wait3A_681 = arith.constant 0 : i32
      %dma_wait3A_682 = arith.constant 0 : i32
      %dma_wait3A_683 = tpu.memref_slice %arg5[%dma_wait3A_681, %dma_wait3A_682] : memref<1000x64xf32, #tpu.memory_space<vmem_shared>> -> memref<1000x64xf32, #tpu.memory_space<vmem_shared>>
      tpu.wait_indirect_dma semaphore(%arg8 : memref<!tpu.dma_semaphore, #tpu.memory_space<semaphore_mem>>) src(%dma_wait3A_683 : memref<1000x64xf32, #tpu.memory_space<vmem_shared>>) dst(%dma_wait3A_677 : memref<128x64xf32, #tpu.memory_space<vmem>>)
      %mul3A_684 = arith.constant 128 : i32
      %mul3A_685 = arith.muli %add3A_547, %mul3A_684 : i32
      %dma_start3A_686 = arith.constant 640 : i32
      %dma_start3A_687 = arith.constant 0 : i32
      %dma_start3A_688 = tpu.memref_slice %arg7[%dma_start3A_686, %dma_start3A_687] : memref<1280x64xf32, #tpu.memory_space<vmem>> -> memref<640x64xf32, #tpu.memory_space<vmem>>
      %dma_start3A_689 = arith.constant 0 : i32
      %dma_start3A_690 = tpu.memref_slice %arg4[%mul3A_685, %dma_start3A_689] : memref<3276800x128xf32, #tpu.memory_space<hbm>> -> memref<640x64xf32, #tpu.memory_space<hbm>>
      %dma_start3A_691 = arith.constant 0 : i32
      %dma_start3A_692 = tpu.memref_slice %arg4[%mul3A_685, %dma_start3A_691] : memref<3276800x128xf32, #tpu.memory_space<hbm>> -> memref<640x64xf32, #tpu.memory_space<hbm>>
      %dma_start3A_693 = arith.constant 640 : i32
      %dma_start3A_694 = arith.constant 0 : i32
      %dma_start3A_695 = tpu.memref_slice %arg7[%dma_start3A_693, %dma_start3A_694] : memref<1280x64xf32, #tpu.memory_space<vmem>> -> memref<640x64xf32, #tpu.memory_space<vmem>>
      tpu.enqueue_dma source(%dma_start3A_695 : memref<640x64xf32, #tpu.memory_space<vmem>>) target(%dma_start3A_692 : memref<640x64xf32, #tpu.memory_space<hbm>>) target_semaphore(%arg10 : memref<!tpu.dma_semaphore, #tpu.memory_space<semaphore_mem>>)
    }
    %scan3A_322 = arith.constant 79 : i32
    %dma_wait3A_323 = arith.constant 0 : i32
    %dma_wait3A_324 = arith.constant 0 : i32
    %dma_wait3A_325 = tpu.memref_slice %arg6[%dma_wait3A_323, %dma_wait3A_324] : memref<10x128xi32, #tpu.memory_space<vmem>> -> memref<5x128xi32, #tpu.memory_space<vmem>>
    %dma_wait3A_326 = arith.constant 0 : i32
    %dma_wait3A_327 = arith.constant 0 : i32
    %dma_wait3A_328 = tpu.memref_slice %arg3[%dma_wait3A_326, %dma_wait3A_327] : memref<25600x128xi32, #tpu.memory_space<hbm>> -> memref<5x128xi32, #tpu.memory_space<hbm>>
    %dma_wait3A_329 = arith.constant 0 : i32
    %dma_wait3A_330 = arith.constant 0 : i32
    %dma_wait3A_331 = tpu.memref_slice %arg6[%dma_wait3A_329, %dma_wait3A_330] : memref<10x128xi32, #tpu.memory_space<vmem>> -> memref<5x128xi32, #tpu.memory_space<vmem>>
    %dma_wait3A_332 = arith.constant 0 : i32
    %dma_wait3A_333 = arith.constant 0 : i32
    %dma_wait3A_334 = tpu.memref_slice %arg3[%dma_wait3A_332, %dma_wait3A_333] : memref<25600x128xi32, #tpu.memory_space<hbm>> -> memref<5x128xi32, #tpu.memory_space<hbm>>
    tpu.wait_dma2 semaphore(%arg11 : memref<!tpu.dma_semaphore, #tpu.memory_space<semaphore_mem>>) src(%dma_wait3A_334 : memref<5x128xi32, #tpu.memory_space<hbm>>) dst(%dma_wait3A_331 : memref<5x128xi32, #tpu.memory_space<vmem>>)
    %dma_wait3A_335 = arith.constant 0 : i32
    %dma_wait3A_336 = arith.constant 0 : i32
    %dma_wait3A_337 = tpu.memref_slice %arg7[%dma_wait3A_335, %dma_wait3A_336] : memref<1280x64xf32, #tpu.memory_space<vmem>> -> memref<640x64xf32, #tpu.memory_space<vmem>>
    %dma_wait3A_338 = arith.constant 0 : i32
    %dma_wait3A_339 = arith.constant 0 : i32
    %dma_wait3A_340 = tpu.memref_slice %arg4[%dma_wait3A_338, %dma_wait3A_339] : memref<3276800x128xf32, #tpu.memory_space<hbm>> -> memref<640x64xf32, #tpu.memory_space<hbm>>
    %dma_wait3A_341 = arith.constant 0 : i32
    %dma_wait3A_342 = arith.constant 0 : i32
    %dma_wait3A_343 = tpu.memref_slice %arg4[%dma_wait3A_341, %dma_wait3A_342] : memref<3276800x128xf32, #tpu.memory_space<hbm>> -> memref<640x64xf32, #tpu.memory_space<hbm>>
    %dma_wait3A_344 = arith.constant 0 : i32
    %dma_wait3A_345 = arith.constant 0 : i32
    %dma_wait3A_346 = tpu.memref_slice %arg7[%dma_wait3A_344, %dma_wait3A_345] : memref<1280x64xf32, #tpu.memory_space<vmem>> -> memref<640x64xf32, #tpu.memory_space<vmem>>
    tpu.wait_dma2 semaphore(%arg9 : memref<!tpu.dma_semaphore, #tpu.memory_space<semaphore_mem>>) src(%dma_wait3A_346 : memref<640x64xf32, #tpu.memory_space<vmem>>) dst(%dma_wait3A_343 : memref<640x64xf32, #tpu.memory_space<hbm>>)
    %dma_wait3A_347 = arith.constant 640 : i32
    %dma_wait3A_348 = arith.constant 0 : i32
    %dma_wait3A_349 = tpu.memref_slice %arg7[%dma_wait3A_347, %dma_wait3A_348] : memref<1280x64xf32, #tpu.memory_space<vmem>> -> memref<640x64xf32, #tpu.memory_space<vmem>>
    %dma_wait3A_350 = arith.constant 0 : i32
    %dma_wait3A_351 = arith.constant 0 : i32
    %dma_wait3A_352 = tpu.memref_slice %arg4[%dma_wait3A_350, %dma_wait3A_351] : memref<3276800x128xf32, #tpu.memory_space<hbm>> -> memref<640x64xf32, #tpu.memory_space<hbm>>
    %dma_wait3A_353 = arith.constant 0 : i32
    %dma_wait3A_354 = arith.constant 0 : i32
    %dma_wait3A_355 = tpu.memref_slice %arg4[%dma_wait3A_353, %dma_wait3A_354] : memref<3276800x128xf32, #tpu.memory_space<hbm>> -> memref<640x64xf32, #tpu.memory_space<hbm>>
    %dma_wait3A_356 = arith.constant 640 : i32
    %dma_wait3A_357 = arith.constant 0 : i32
    %dma_wait3A_358 = tpu.memref_slice %arg7[%dma_wait3A_356, %dma_wait3A_357] : memref<1280x64xf32, #tpu.memory_space<vmem>> -> memref<640x64xf32, #tpu.memory_space<vmem>>
    tpu.wait_dma2 semaphore(%arg10 : memref<!tpu.dma_semaphore, #tpu.memory_space<semaphore_mem>>) src(%dma_wait3A_358 : memref<640x64xf32, #tpu.memory_space<vmem>>) dst(%dma_wait3A_355 : memref<640x64xf32, #tpu.memory_space<hbm>>)
    return
  }
}

</mosaic_0001>

<sc_bundles>
// kernel: kernel.3.cloned.1.call-start
scs
__scs_entry_jumppad:
0x0: {  	(pc) =	sbr.rel $0x88, $3  }
0x1: {  	(tag) =	ssettag $0x0;
	lr =	simm.s32 $0x1  }
0x2: {  	[smem:$0x3F9F] =	sst lr;
	_ =	strace $0xD0000000  }
0x3: {  	_ = 	snop  }
0x4: {  	_ = 	snop  }
0x5: {  	_ = 	snop  }
0x6: {  	_ = 	snop  }
0x7: {  	_ = 	snop  }
__scs_overlays_trampoline_lowered:
0x8: {  	[smem:$0x3FAE] =	sst s0  }
0x9: {  	[smem:$0x3FAF] =	sst s1  }
0xa: {  	[smem:$0x3FB0] =	sst s2  }
0xb: {  	[smem:$0x3FB1] =	sst s3  }
0xc: {  	[smem:$0x3FB2] =	sst s4  }
0xd: {  	[smem:$0x3FB3] =	sst s5  }
0xe: {  	[smem:$0x3FB4] =	sst s6  }
0xf: {  	[smem:$0x3FB5] =	sst s7  }
0x10: {  	[smem:$0x3FB6] =	sst s8  }
0x11: {  	[smem:$0x3FB7] =	sst s9;
	s0 =	simm.s32 @!p0 $0x0  }
0x12: {  	s1 =	sld [smem:$0x3F9D];
	s0 =	simm.s32 @p0 $0x1  }
0x13: {  	[smem:$0x3FB8] =	sst s0;
	s0 =	simm.s32 @!p1 $0x0  }
0x14: {  	s2 =	sld [smem:$0x3F9C];
	s0 =	simm.s32 @p1 $0x1  }
0x15: {  	[smem:$0x3FB9] =	sst s0;
	s0 =	simm.s32 @!p2 $0x0  }
0x16: {  	s3 =	sld [smem:$0x3FDB];
	s0 =	simm.s32 @p2 $0x1  }
0x17: {  	s4 =	simm.s32 $0x1BF5;
	[smem:$0x3FBB] =	sst s0  }
0x18: {  	s0 =	sld [smem:$0x3F9E];
	_ =	swait.ge [sflag:s4], $0x0  }
0x19: {  	s7 =	sld [smem:$0x3F9F]  }
0x1a: {  	s8 =	sadd.s32 $0xFFFFE003, lr  }
0x1b: {  	s9 =	sadd.s32 $0xFFFFFEF7, lr;
	s5 =	simm.s32 $0xFFFFFFFF;
	p2 =	slt.u32 s8, $0xFFFFF086  }
0x1c: {  	p1 =	slt.u32 s9, $0xF7A;
	s5 =	simm.s32 @!p2 $0x0  }
0x1d: {  	s5 =	simm.s32 @p1 $0x1;
	p0 =	seq.s32 s7, s2  }
0x1e: {  	s7 =	smul.u32 @!p0 $0xF7A, s2;
	p2 =	seq.s32 @!p0 s5, $0x0  }
0x1f: {  	s9 =	smul.u32 $0xF7A, s1;
	s8 =	simm.s32 @!p0 $0x1BF5;
	p2 =	por !p2, p0  }
0x20: {  	[sflag:s8] =	ssyncset.s32 @!p0 $0xFFFFF086;
	s6 =	sadd.s32 @!p0 s3, s7;
	s7 =	simm.s32 @!p0 $0x108  }
0x21: {  	s3 =	sadd.s32 s3, s9;
	s6 =	sadd.s32 @!p0 $0x88, s6;
	s7 =	simm.s32 @p2 $0x1082  }
0x22: {  	[simem:s7], [sflag:s8] =	dma.local @!p0 [hbm:s6], $0xF7A  }
0x23: {  	s9 =	sor.u32 $0xD0000000, s2;
	s6 =	simm.s32 $0x108;
	_ =	swait.ge @!p0 [sflag:s8], $0x0  }
0x24: {  	s3 =	sadd.s32 $0x88, s3;
	s6 =	simm.s32 @!p1 $0x1082;
	[sflag:s4] =	ssyncset.s32 $0xFFFFF086  }
0x25: {  	[simem:s6], [sflag:s4] =	dma.local [hbm:s3], $0xF7A  }
0x26: {  	[smem:$0x3F9F] =	sst s1;
	(tag) =	ssettag s2;
	_ =	strace s9  }
0x27: {  	s1 =	sld [smem:$0x3FAF]  }
0x28: {  	s2 =	sld [smem:$0x3FB0]  }
0x29: {  	s4 =	sld [smem:$0x3FB2]  }
0x2a: {  	p0 =	seq.s32 s5, $0x0;
	s5 =	sld [smem:$0x3FB3]  }
0x2b: {  	s6 =	sld [smem:$0x3FB4]  }
0x2c: {  	s7 =	sld [smem:$0x3FB5]  }
0x2d: {  	s3 =	simm.s32 $0x108;
	s8 =	sld [smem:$0x3FB6]  }
0x2e: {  	s3 =	simm.s32 @!p0 $0x1082;
	s9 =	sld [smem:$0x3FB7]  }
0x2f: {  	lr =	sadd.s32 s0, s3;
	s0 =	sld [smem:$0x3FAE]  }
0x30: {  	s3 =	sld [smem:$0x3FB1]  }
0x31: {  	[smem:$0x3FBA] =	sst s10  }
0x32: {  	s10 =	sld [smem:$0x3FB8];
	_ =	sdelay $0x3  }
0x33: {  	p0 =	seq.s32 s10, $0x1;
	s10 =	sld [smem:$0x3FBA];
	_ =	sdelay $0x3  }
0x34: {  	[smem:$0x3FBA] =	sst s10  }
0x35: {  	s10 =	sld [smem:$0x3FB9];
	_ =	sdelay $0x3  }
0x36: {  	p1 =	seq.s32 s10, $0x1;
	s10 =	sld [smem:$0x3FBA];
	_ =	sdelay $0x3  }
0x37: {  	[smem:$0x3FBA] =	sst s10  }
0x38: {  	s10 =	sld [smem:$0x3FBB]  }
0x39: {  	_ = 	snop;
	(pc) =	sbr.ind lr, $3  }
0x3a: {  	_ = 	snop  }
0x3b: {  	_ = 	snop  }
0x3c: {  	p2 =	seq.s32 s10, $0x1;
	s10 =	sld [smem:$0x3FBA]  }
0x3d: {  	_ =	shalt  }
0x3e: {  	_ =	shalt  }
0x3f: {  	_ =	shalt  }
0x40: {  	_ =	shalt  }
0x41: {  	_ =	shalt  }
0x42: {  	_ =	shalt  }
0x43: {  	_ =	shalt  }
0x44: {  	_ =	shalt  }
0x45: {  	_ =	shalt  }
0x46: {  	_ =	shalt  }
0x47: {  	_ =	shalt  }
0x48: {  	_ =	shalt  }
0x49: {  	_ =	shalt  }
0x4a: {  	_ =	shalt  }
0x4b: {  	_ =	shalt  }
0x4c: {  	_ =	shalt  }
0x4d: {  	_ =	shalt  }
0x4e: {  	_ =	shalt  }
0x4f: {  	_ =	shalt  }
0x50: {  	_ =	shalt  }
0x51: {  	_ =	shalt  }
0x52: {  	_ =	shalt  }
0x53: {  	_ =	shalt  }
0x54: {  	_ =	shalt  }
0x55: {  	_ =	shalt  }
0x56: {  	_ =	shalt  }
0x57: {  	_ =	shalt  }
0x58: {  	_ =	shalt  }
0x59: {  	_ =	shalt  }
0x5a: {  	_ =	shalt  }
0x5b: {  	_ =	shalt  }
0x5c: {  	_ =	shalt  }
0x5d: {  	_ =	shalt  }
0x5e: {  	_ =	shalt  }
0x5f: {  	_ =	shalt  }
0x60: {  	_ =	shalt  }
0x61: {  	_ =	shalt  }
0x62: {  	_ =	shalt  }
0x63: {  	_ =	shalt  }
0x64: {  	_ =	shalt  }
0x65: {  	_ =	shalt  }
0x66: {  	_ =	shalt  }
0x67: {  	_ =	shalt  }
0x68: {  	_ =	shalt  }
0x69: {  	_ =	shalt  }
0x6a: {  	_ =	shalt  }
0x6b: {  	_ =	shalt  }
0x6c: {  	_ =	shalt  }
0x6d: {  	_ =	shalt  }
0x6e: {  	_ =	shalt  }
0x6f: {  	_ =	shalt  }
0x70: {  	_ =	shalt  }
0x71: {  	_ =	shalt  }
0x72: {  	_ =	shalt  }
0x73: {  	_ =	shalt  }
0x74: {  	_ =	shalt  }
0x75: {  	_ =	shalt  }
0x76: {  	_ =	shalt  }
0x77: {  	_ =	shalt  }
0x78: {  	_ =	shalt  }
0x79: {  	_ =	shalt  }
0x7a: {  	_ =	shalt  }
0x7b: {  	_ =	shalt  }
0x7c: {  	_ =	shalt  }
0x7d: {  	_ =	shalt  }
0x7e: {  	_ =	shalt  }
0x7f: {  	_ =	shalt  }
0x80: {  	_ =	shalt  }
0x81: {  	_ =	shalt  }
0x82: {  	_ =	shalt  }
0x83: {  	_ =	shalt  }
0x84: {  	_ =	shalt  }
0x85: {  	_ =	shalt  }
0x86: {  	_ =	shalt  }
0x87: {  	_ =	shalt  }
.Lfunc_end0:
.L_simem_size_0:
called_computation.1_lowered:
.L_overlay_start_0:
0x88: {  	s2 =	sld [smem:$0x3FD9]  }
0x89: {  	s3 =	sld [smem:$0x3FFE];
	_ =	sdelay $0x1  }
0x8a: {  	s1 =	srdreg.scid  }
0x8b: {  	s0 =	sand.u32 $0x1, s1  }
0x8c: {  	s17 =	sshll.u32 s0, $0xA;
	s2 =	sadd.s32 s3, s2  }
0x8d: {  	s2 =	sadd.s32 s2, s17  }
0x8e: {  	[smem:$0x3FC6] =	sst s2  }
0x8f: {  	_ = 	snop  }
0x90: {  	s2 =	sld [smem:$0x3FD0];
	(tm) =	ssettm $0x1  }
0x91: {  	s18 =	sld [smem:$0x3FFB];
	_ =	sdelay $0x3  }
0x92: {  	_ =	strace s18  }
0x93: {  	s3 =	sld [smem:$0x3FFC];
	_ =	sdelay $0x3  }
0x94: {  	_ =	strace s3  }
0x95: {  	s3 =	sld [smem:$0x3FFD];
	_ =	sdelay $0x3  }
0x96: {  	_ =	strace s3  }
0x97: {  	_ =	strace $0x8FFFFFFF  }
0x98: {  	s19 =	sld [smem:$0x3FDB];
	_ =	sdelay $0x1  }
0x99: {  	s4 =	simm.s32 $_scs_section_size  }
0x9a: {  	s5 =	simm.s32 $_size__tile_overlayer_lowered;
	s6 =	simm.s32 $_tile_overlayer_lowered  }
0x9b: {  	s22 =	simm.s32 $0x1BFF;
	s21 =	sshll.u32 s6, $0x1;
	s3 =	sadd.s32 s4, s19  }
0x9c: {  	s7 =	simm.s32 $0x0;
	s20 =	sshll.u32 s5, $0x1;
	s5 =	sadd.s32 s21, s3  }
0x9d: {  	[timem:s7], [sflag:s22] =	dma.local [hbm:s5], s20  }
0x9e: {  	_ =	swait.ge [sflag:s22], s20  }
0x9f: {  	s4 =	ssub.s32 $0x0, s20;
	[sflag:s22] =	ssyncset.done $0x0  }
0xa0: {  	[sflag:s22] =	ssyncadd.s32 s4;
	_ =	sdelay $0x1  }
0xa1: {  	s23 =	simm.s32 $0x1B8B  }
0xa2: {  	_ =	swait.ge [sflag:s23], $0x1  }
0xa3: {  	[sflag:s23] =	ssyncset.done $0x0  }
0xa4: {  	s25 =	simm.s32 $0x1B8E;
	s24 =	sld [smem:$0x3FFE];
	[sflag:s23] =	ssyncadd.s32 $0xFFFFFFFF  }
0xa5: {  	s26 =	simm.s32 $execute0_lowered;
	[smem:$0x3FD2] =	sst s25  }
0xa6: {  	s5 =	sshll.u32 s26, $0x1;
	_ =	strace $0x80000046;
	[dreg:$0x1] =	wrdreg $0xFFFFFFFF  }
0xa7: {  	s28 =	simm.s32 $_size_execute0_lowered;
	s3 =	sadd.s32 s3, s5;
	[dreg:$0x0] =	wrdreg $0x0  }
0xa8: {  	s5 =	sshll.u32 s28, $0x1;
	[dreg:$0x2] =	wrdreg s3  }
0xa9: {  	[dreg:$0x3] =	wrdreg s5  }
0xaa: {  	[dreg:$0x4] =	wrdreg $0xC0  }
0xab: {  	_ =	task [dreg:s7], $0x5FFFF  }
0xac: {  	[dreg:$0x1] =	wrdreg $0xFFFFFFFF  }
0xad: {  	[dreg:$0x0] =	wrdreg $0x60  }
0xae: {  	[dreg:$0x2] =	wrdreg s24  }
0xaf: {  	[dreg:$0x3] =	wrdreg s2  }
0xb0: {  	[dreg:$0x4] =	wrdreg $0x0  }
0xb1: {  	[dreg:$0x5] =	wrdreg $0x9  }
0xb2: {  	_ =	task.clear_ibuf [dreg:s7], $0x6FFFF;
	_ =	strace $0x90000046  }
0xb3: {  	s29 =	simm.s32 $0x9;
	_ =	strace $0x80000048  }
0xb4: {  	_ =	swait.ge [sflag:s29], $0x1  }
0xb5: {  	[sflag:s29] =	ssyncadd.s32 $0xFFFFFFFF  }
0xb6: {  	_ =	strace $0x90000048  }
0xb7: {  	_ =	sfence  }
0xb8: {  	s30 =	sld [smem:$0x0];
	_ =	sdelay $0x2  }
0xb9: {  	s31 =	sshll.u32 s1, $0xD;
	s1 =	sshrl.u32 s1, $0x2  }
0xba: {  	s3 =	sand.u32 $0x4000, s31;
	s1 =	sadd.s32 s1, s30  }
0xbb: {  	s0 =	sor.u32 s3, s0;
	s1 =	sshll.u32 s1, $0x11  }
0xbc: {  	s0 =	sor.u32 s1, s0  }
0xbd: {  	s0 =	sadd.s32 $0x8F2B, s0  }
0xbe: {  	[sflag:s0] =	ssyncadd.remote.s32 $0x1  }
0xbf: {  	_ =	sfence.sel $0xFFFF  }
0xc0: {  	[dreg:$0x0] =	wrdreg $0xFFFFFFFF;
	(pc) =	sbr.abs _section_cstart, $3  }
0xc1: {  	[dreg:$0x1] =	wrdreg $0xFFFFFFFF  }
0xc2: {  	_ =	task.clear_ibuf [dreg:s7], $0x2FFFF;
	_ =	strace $0x9FFFFFFF  }
0xc3: {  	(tm) =	ssettm $0x7FFFFFFF  }
tec
execute0_lowered:
.L_overlay_start_1:
0x0: {  	(tag) =	ssettag $0x1  }
0x1: {  	s0 =	rddreg [dreg:$0x0]  }
0x2: {  	s23 =	rddreg [dreg:$0x1]  }
0x3: {  	s1 =	srdreg.scid;
	s4 =	stileid.u32  }
0x4: {  	s2 =	rddreg [dreg:$0x2];
	s3 =	simm.s32 $0x0;
	s15 =	simm.s32 $0xFA0  }
0x5: {  	s16 =	simm.s32 $0x4;
	s29 =	simm.s32 $0x1;
	s30 =	simm.s32 $0x40  }
0x6: {  	s31 =	simm.s32 $0xB4A0;
	s28 =	simm.s32 $0x114A0;
	s14 =	simm.s32 $0x2  }
0x7: {  	s13 =	simm.s32 $0x3;
	s1 =	sand.u32 $0x1, s1;
	s5 =	sshll.u32 s4, $0x1  }
0x8: {  	[smem:$0x7FF] =	sst s3;
	s7 =	sadd.s32 $0x800, s0;
	s11 =	smul.u32 $0x640, s4  }
0x9: {  	s5 =	sor.u32 s1, s5;
	s8 =	ssub.s32 $0x2, s1;
	s1 =	smul.u32 $0x320, s1  }
0xa: {  	s0 =	sadd.s32 $0x2800, s0;
	p0 =	sne.s32 s4, $0x0;
	s6 =	smul.u32 $0x320, s5  }
0xb: {  	s4 =	simm.s32 $0x74A0;
	_ =	strace $0x80000047;
	s17 =	smul.u32 $0x3200, s5  }
0xc: {  	[dreg:$0x6] =	wrdreg s7;
	s9 =	smul.u32 $0x190000, s5;
	s18 =	sshrl.u32 s8, $0x1  }
0xd: {  	s8 =	ssub.s32 s8, s18;
	s1 =	sadd.s32 s1, s11;
	s18 =	simm.s32 $0x80  }
0xe: {  	s11 =	simm.s32 $0x1320;
	s10 =	sor.u32 $0x5, s6;
	s5 =	sadd.s32 $0x31B, s6  }
0xf: {  	s7 =	sadd.s32 s23, s17;
	s20 =	sadd.s32 s0, s9;
	s22 =	sshll.u32 s1, $0xB  }
0x10: {  	s24 =	smax.u32 s8, $0x1;
	s25 =	sshll.u32 s1, $0x4;
	s1 =	sor.u32 $0x14, s1  }
0x11: {  	s17 =	simm.s32 $0x1220;
	s8 =	simm.s32 $0x94A0;
	[dreg:$0x9] =	wrdreg s20  }
0x12: {  	s9 =	simm.s32 $0x12A0;
	s12 =	sshll.u32 s10, $0x4;
	[dreg:$0x7] =	wrdreg s7  }
0x13: {  	s21 =	sshll.u32 s10, $0xB;
	s7 =	sadd.s32 $0xA0, s7;
	[dreg:$0xc] =	wrdreg s24  }
0x14: {  	[dreg:$0xd] =	wrdreg s1;
	s26 =	sadd.s32 s25, s23;
	s24 =	simm.s32 $0x10A0  }
0x15: {  	s25 =	simm.s32 $0x54A0;
	s10 =	simm.s32 $0xD4A0;
	s19 =	sadd.s32 s23, s12  }
0x16: {  	[dreg:$0xa] =	wrdreg s7;
	s6 =	sadd.s32 s0, s21;
	s0 =	sadd.s32 s22, s0  }
0x17: {  	s1 =	sadd.s32 $0xF0, s26;
	s21 =	simm.s32 $0x1020;
	[dreg:$0x8] =	wrdreg s19  }
0x18: {  	s22 =	simm.s32 $0x34A0;
	s7 =	simm.s32 $0x11A0;
	[dreg:$0xb] =	wrdreg s6  }
0x19: {  	s26 =	simm.s32 $0x13A0;
	s6 =	sadd.s32 $0x7800, s0;
	[dreg:$0xe] =	wrdreg s1  }
0x1a: {  	s12 =	simm.s32 $0x0;
	s0 =	sadd.s32 $0x5000, s0;
	[dreg:$0x4] =	wrdreg s6  }
0x1b: {  	s19 =	simm.s32 $0x14A0;
	[dreg:$0x5] =	wrdreg s0;
	s0 =	sshrl.u32 @!p0 s2, $0x3  }
0x1c: {  	s1 =	simm.s32 $0x1120;
	s6 =	simm.s32 $0xF4A0;
	[dreg:$0xf] =	wrdreg s0  }
.LBB2_1:
0x1d: {  	[dreg:$0x10] =	wrdreg s12  }
0x1e: {  	s12 =	rddreg [dreg:$0x6]  }
0x1f: {  	s0 =	simm.s32 @!p0 $0x1C05;
	s20 =	rddreg [dreg:$0xf]  }
0x20: {  	[spmem:s20], [sflag:s0] =	dma.local @!p0 [hbm:s12], $0x1F40  }
0x21: {  	s0 =	simm.s32 @!p0 $0x5  }
0x22: {  	_ =	swait.ge @!p0 [sflag:s0], $0x1F40  }
0x23: {  	[sflag:s0] =	ssyncset.done @!p0 $0x0  }
0x24: {  	[sflag:s0] =	ssyncadd.s32 @!p0 $0xFFFFE0C0  }
0x25: {  	[bflag:$0x0] =	sbarrier.arrive $0xFFFF  }
0x26: {  	s20 =	rddreg [dreg:$0x7]  }
0x27: {  	[tilespmem:s15], [sflag:$0x4] =	stream.linear.gather [hbm4b:s20+s3], $0x280, $0x38;
	[tilespmem:$0x154A0] =	vst v63  }
0x28: {  	_ =	swait.ge [sflag:s16], $0x280  }
0x29: {  	[sflag:s16] =	ssyncset.done $0x0  }
0x2a: {  	s12 =	rddreg [dreg:$0x8];
	[sflag:s16] =	ssyncadd.s32 $0xFFFFFD80  }
0x2b: {  	[tilespmem:s17], [sflag:$0x4] =	stream.linear.gather [hbm4b:s12+s3], $0x280, $0x38;
	[tilespmem:$0x154A0] =	vst v63  }
0x2c: {  	_ = 	snop  }
0x2d: {  	[tilespmem:s19], [sflag:$0x1] =	stream.indirect.gather [spmem:s2], $0x40, s15, s18, $0xb8;
	[tilespmem:$0x154A0] =	vst v63  }
0x2e: {  	_ = 	snop  }
0x2f: {  	[tilespmem:s22], [sflag:$0x1] =	stream.indirect.gather [spmem:s2], $0x40, s21, s18, $0xb8;
	[tilespmem:$0x154A0] =	vst v63  }
0x30: {  	_ = 	snop  }
0x31: {  	[tilespmem:s25], [sflag:$0x1] =	stream.indirect.gather [spmem:s2], $0x40, s24, s18, $0xb8;
	[tilespmem:$0x154A0] =	vst v63  }
0x32: {  	_ = 	snop  }
0x33: {  	[tilespmem:s4], [sflag:$0x1] =	stream.indirect.gather [spmem:s2], $0x40, s1, s18, $0xb8;
	[tilespmem:$0x154A0] =	vst v63  }
0x34: {  	_ = 	snop  }
0x35: {  	[tilespmem:s8], [sflag:$0x1] =	stream.indirect.gather [spmem:s2], $0x40, s7, s18, $0xb8;
	[tilespmem:$0x154A0] =	vst v63  }
0x36: {  	_ =	swait.ge [sflag:s29], $0x2000  }
0x37: {  	[sflag:s29] =	ssyncset.done $0x0  }
0x38: {  	[sflag:s29] =	ssyncadd.s32 $0xFFFFE000  }
0x39: {  	_ =	swait.ge [sflag:s29], $0x2000  }
0x3a: {  	[sflag:s29] =	ssyncset.done $0x0  }
0x3b: {  	[sflag:s29] =	ssyncadd.s32 $0xFFFFE000  }
0x3c: {  	_ =	swait.ge [sflag:s29], $0x2000  }
0x3d: {  	[sflag:s29] =	ssyncset.done $0x0  }
0x3e: {  	[sflag:s29] =	ssyncadd.s32 $0xFFFFE000  }
0x3f: {  	_ =	swait.ge [sflag:s29], $0x2000  }
0x40: {  	[sflag:s29] =	ssyncset.done $0x0  }
0x41: {  	[sflag:s29] =	ssyncadd.s32 $0xFFFFE000  }
0x42: {  	_ =	swait.ge [sflag:s29], $0x2000  }
0x43: {  	[sflag:s29] =	ssyncset.done $0x0  }
0x44: {  	s20 =	rddreg [dreg:$0x9];
	[sflag:s29] =	ssyncadd.s32 $0xFFFFE000  }
0x45: {  	[hbm4b:s20+s30] =	stream.strided.scatter [tilespmem:s19], [sflag:$0x2], $0xA000, s18, s30, $0x38;
	[tilespmem:$0x154A0] =	vst v63  }
0x46: {  	_ =	swait.ge [sflag:s16], $0x280  }
0x47: {  	[sflag:s16] =	ssyncset.done $0x0  }
0x48: {  	s12 =	rddreg [dreg:$0xa];
	[sflag:s16] =	ssyncadd.s32 $0xFFFFFD80  }
0x49: {  	[tilespmem:s15], [sflag:$0x4] =	stream.linear.gather [hbm4b:s12+s3], $0x280, $0x38;
	[tilespmem:$0x154A0] =	vst v63  }
0x4a: {  	_ = 	snop  }
0x4b: {  	[tilespmem:s31], [sflag:$0x1] =	stream.indirect.gather [spmem:s2], $0x40, s17, s18, $0xb8;
	[tilespmem:$0x154A0] =	vst v63  }
0x4c: {  	_ = 	snop  }
0x4d: {  	[tilespmem:s10], [sflag:$0x1] =	stream.indirect.gather [spmem:s2], $0x40, s9, s18, $0xb8;
	[tilespmem:$0x154A0] =	vst v63  }
0x4e: {  	_ = 	snop  }
0x4f: {  	[tilespmem:s6], [sflag:$0x1] =	stream.indirect.gather [spmem:s2], $0x40, s11, s18, $0xb8;
	[tilespmem:$0x154A0] =	vst v63  }
0x50: {  	_ = 	snop  }
0x51: {  	[tilespmem:s28], [sflag:$0x1] =	stream.indirect.gather [spmem:s2], $0x40, s26, s18, $0xb8;
	[tilespmem:$0x154A0] =	vst v63  }
0x52: {  	s20 =	simm.s32 $0x1420;
	s12 =	simm.s32 $0x134A0  }
0x53: {  	[tilespmem:s12], [sflag:$0x1] =	stream.indirect.gather [spmem:s2], $0x40, s20, s18, $0xb8;
	[tilespmem:$0x154A0] =	vst v63  }
0x54: {  	_ =	swait.ge [sflag:s29], $0x2000  }
0x55: {  	[sflag:s29] =	ssyncset.done $0x0  }
0x56: {  	[sflag:s29] =	ssyncadd.s32 $0xFFFFE000  }
0x57: {  	_ =	swait.ge [sflag:s29], $0x2000  }
0x58: {  	[sflag:s29] =	ssyncset.done $0x0  }
0x59: {  	[sflag:s29] =	ssyncadd.s32 $0xFFFFE000  }
0x5a: {  	_ =	swait.ge [sflag:s29], $0x2000  }
0x5b: {  	[sflag:s29] =	ssyncset.done $0x0  }
0x5c: {  	[sflag:s29] =	ssyncadd.s32 $0xFFFFE000  }
0x5d: {  	_ =	swait.ge [sflag:s29], $0x2000  }
0x5e: {  	[sflag:s29] =	ssyncset.done $0x0  }
0x5f: {  	[sflag:s29] =	ssyncadd.s32 $0xFFFFE000  }
0x60: {  	_ =	swait.ge [sflag:s29], $0x2000  }
0x61: {  	[sflag:s29] =	ssyncset.done $0x0  }
0x62: {  	s20 =	rddreg [dreg:$0xb];
	[sflag:s29] =	ssyncadd.s32 $0xFFFFE000  }
0x63: {  	[hbm4b:s20+s30] =	stream.strided.scatter [tilespmem:s31], [sflag:$0x3], $0xA000, s18, s30, $0x38;
	[tilespmem:$0x154A0] =	vst v63  }
0x64: {  	_ =	swait.ge [sflag:s14], $0xA000  }
0x65: {  	[sflag:s14] =	ssyncset.done $0x0  }
0x66: {  	[sflag:s14] =	ssyncadd.s32 $0xFFFF6000  }
0x67: {  	_ =	swait.ge [sflag:s16], $0x280  }
0x68: {  	[sflag:s16] =	ssyncset.done $0x0  }
0x69: {  	s20 =	rddreg [dreg:$0xe];
	[sflag:s16] =	ssyncadd.s32 $0xFFFFFD80  }
0x6a: {  	[tilespmem:s17], [sflag:$0x4] =	stream.linear.gather [hbm4b:s20+s3], $0x280, $0x38;
	[tilespmem:$0x154A0] =	vst v63  }
0x6b: {  	_ = 	snop  }
0x6c: {  	[tilespmem:s19], [sflag:$0x1] =	stream.indirect.gather [spmem:s2], $0x40, s15, s18, $0xb8;
	[tilespmem:$0x154A0] =	vst v63  }
0x6d: {  	_ = 	snop  }
0x6e: {  	[tilespmem:s22], [sflag:$0x1] =	stream.indirect.gather [spmem:s2], $0x40, s21, s18, $0xb8;
	[tilespmem:$0x154A0] =	vst v63  }
0x6f: {  	_ = 	snop  }
0x70: {  	[tilespmem:s25], [sflag:$0x1] =	stream.indirect.gather [spmem:s2], $0x40, s24, s18, $0xb8;
	[tilespmem:$0x154A0] =	vst v63  }
0x71: {  	_ = 	snop  }
0x72: {  	[tilespmem:s4], [sflag:$0x1] =	stream.indirect.gather [spmem:s2], $0x40, s1, s18, $0xb8;
	[tilespmem:$0x154A0] =	vst v63  }
0x73: {  	_ = 	snop  }
0x74: {  	[tilespmem:s8], [sflag:$0x1] =	stream.indirect.gather [spmem:s2], $0x40, s7, s18, $0xb8;
	[tilespmem:$0x154A0] =	vst v63  }
0x75: {  	_ =	swait.ge [sflag:s29], $0x2000  }
0x76: {  	[sflag:s29] =	ssyncset.done $0x0  }
0x77: {  	[sflag:s29] =	ssyncadd.s32 $0xFFFFE000  }
0x78: {  	_ =	swait.ge [sflag:s29], $0x2000  }
0x79: {  	[sflag:s29] =	ssyncset.done $0x0  }
0x7a: {  	[sflag:s29] =	ssyncadd.s32 $0xFFFFE000  }
0x7b: {  	_ =	swait.ge [sflag:s29], $0x2000  }
0x7c: {  	[sflag:s29] =	ssyncset.done $0x0  }
0x7d: {  	[sflag:s29] =	ssyncadd.s32 $0xFFFFE000  }
0x7e: {  	_ =	swait.ge [sflag:s29], $0x2000  }
0x7f: {  	[sflag:s29] =	ssyncset.done $0x0  }
0x80: {  	[sflag:s29] =	ssyncadd.s32 $0xFFFFE000  }
0x81: {  	_ =	swait.ge [sflag:s29], $0x2000  }
0x82: {  	s7 =	rddreg [dreg:$0x5];
	[sflag:s29] =	ssyncset.done $0x0  }
0x83: {  	[sflag:s29] =	ssyncadd.s32 $0xFFFFE000;
	s0 =	sadd.s32 $0x0, s7  }
0x84: {  	[hbm4b:s0+s30] =	stream.strided.scatter [tilespmem:s19], [sflag:$0x2], $0xA000, s18, s30, $0x38;
	[tilespmem:$0x154A0] =	vst v63  }
0x85: {  	_ =	swait.ge [sflag:s13], $0xA000  }
0x86: {  	s22 =	rddreg [dreg:$0xd]  }
0x87: {  	s0 =	smov.u32 s5;
	[sflag:s13] =	ssyncset.done $0x0;
	p1 =	slt.s32 s22, s5  }
0x88: {  	[sflag:s13] =	ssyncadd.s32 $0xFFFF6000;
	s0 =	smov.u32 @p1 s22  }
0x89: {  	_ =	swait.ge [sflag:s16], $0x280;
	s0 =	sshll.u32 s0, $0x4  }
0x8a: {  	[sflag:s16] =	ssyncset.done $0x0;
	s0 =	sand.u32 $0x1FFFFFF0, s0  }
0x8b: {  	[sflag:s16] =	ssyncadd.s32 $0xFFFFFD80;
	s0 =	sadd.s32 s23, s0  }
0x8c: {  	[tilespmem:s15], [sflag:$0x4] =	stream.linear.gather [hbm4b:s0+s3], $0x280, $0x38;
	[tilespmem:$0x154A0] =	vst v63  }
0x8d: {  	_ = 	snop  }
0x8e: {  	[tilespmem:s31], [sflag:$0x1] =	stream.indirect.gather [spmem:s2], $0x40, s17, s18, $0xb8;
	[tilespmem:$0x154A0] =	vst v63  }
0x8f: {  	_ = 	snop  }
0x90: {  	[tilespmem:s10], [sflag:$0x1] =	stream.indirect.gather [spmem:s2], $0x40, s9, s18, $0xb8;
	[tilespmem:$0x154A0] =	vst v63  }
0x91: {  	_ = 	snop  }
0x92: {  	[tilespmem:s6], [sflag:$0x1] =	stream.indirect.gather [spmem:s2], $0x40, s11, s18, $0xb8;
	[tilespmem:$0x154A0] =	vst v63  }
0x93: {  	s8 =	simm.s32 $0x114A0  }
0x94: {  	[tilespmem:s8], [sflag:$0x1] =	stream.indirect.gather [spmem:s2], $0x40, s26, s18, $0xb8;
	[tilespmem:$0x154A0] =	vst v63  }
0x95: {  	s11 =	simm.s32 $0x1420  }
0x96: {  	[tilespmem:s12], [sflag:$0x1] =	stream.indirect.gather [spmem:s2], $0x40, s11, s18, $0xb8;
	[tilespmem:$0x154A0] =	vst v63  }
0x97: {  	_ =	swait.ge [sflag:s29], $0x2000  }
0x98: {  	[sflag:s29] =	ssyncset.done $0x0  }
0x99: {  	[sflag:s29] =	ssyncadd.s32 $0xFFFFE000  }
0x9a: {  	_ =	swait.ge [sflag:s29], $0x2000  }
0x9b: {  	[sflag:s29] =	ssyncset.done $0x0  }
0x9c: {  	[sflag:s29] =	ssyncadd.s32 $0xFFFFE000  }
0x9d: {  	s28 =	simm.s32 $0x134A0;
	_ =	swait.ge [sflag:s29], $0x2000  }
0x9e: {  	s20 =	sadd.s32 $0xA0, s20;
	s25 =	simm.s32 $0x13A0;
	[sflag:s29] =	ssyncset.done $0x0  }
0x9f: {  	s24 =	simm.s32 $0x1020;
	s1 =	simm.s32 $0x1120;
	[sflag:s29] =	ssyncadd.s32 $0xFFFFE000  }
0xa0: {  	s4 =	simm.s32 $0x74A0;
	s7 =	simm.s32 $0x11A0;
	_ =	swait.ge [sflag:s29], $0x2000  }
0xa1: {  	s0 =	sadd.s32 $0xA, s22;
	s9 =	simm.s32 $0x12A0;
	[sflag:s29] =	ssyncset.done $0x0  }
0xa2: {  	s10 =	simm.s32 $0xD4A0;
	s6 =	simm.s32 $0xF4A0;
	[sflag:s29] =	ssyncadd.s32 $0xFFFFE000  }
0xa3: {  	s8 =	simm.s32 $0x94A0;
	s26 =	simm.s32 $0x10A0;
	_ =	swait.ge [sflag:s29], $0x2000  }
0xa4: {  	s12 =	simm.s32 $0x5000;
	s21 =	rddreg [dreg:$0x4];
	[sflag:s29] =	ssyncset.done $0x0  }
0xa5: {  	s11 =	simm.s32 $0x1320;
	[sflag:s29] =	ssyncadd.s32 $0xFFFFE000;
	s21 =	sadd.s32 $0x0, s21  }
.LBB2_2:
0xa6: {  	[hbm4b:s21+s30] =	stream.strided.scatter [tilespmem:s31], [sflag:$0x3], $0xA000, s18, s30, $0x38;
	[tilespmem:$0x154A0] =	vst v63  }
0xa7: {  	_ =	swait.ge [sflag:s14], $0xA000  }
0xa8: {  	[sflag:s14] =	ssyncset.done $0x0  }
0xa9: {  	[sflag:s14] =	ssyncadd.s32 $0xFFFF6000  }
0xaa: {  	_ =	swait.ge [sflag:s16], $0x280  }
0xab: {  	[sflag:s16] =	ssyncset.done $0x0  }
0xac: {  	[sflag:s16] =	ssyncadd.s32 $0xFFFFFD80  }
0xad: {  	[tilespmem:s17], [sflag:$0x4] =	stream.linear.gather [hbm4b:s20+s3], $0x280, $0x38;
	[tilespmem:$0x154A0] =	vst v63  }
0xae: {  	_ = 	snop  }
0xaf: {  	[tilespmem:s19], [sflag:$0x1] =	stream.indirect.gather [spmem:s2], $0x40, s15, s18, $0xb8;
	[tilespmem:$0x154A0] =	vst v63  }
0xb0: {  	s22 =	simm.s32 $0x34A0  }
0xb1: {  	[tilespmem:s22], [sflag:$0x1] =	stream.indirect.gather [spmem:s2], $0x40, s24, s18, $0xb8;
	[tilespmem:$0x154A0] =	vst v63  }
0xb2: {  	s22 =	simm.s32 $0x54A0  }
0xb3: {  	[tilespmem:s22], [sflag:$0x1] =	stream.indirect.gather [spmem:s2], $0x40, s26, s18, $0xb8;
	[tilespmem:$0x154A0] =	vst v63  }
0xb4: {  	_ = 	snop  }
0xb5: {  	[tilespmem:s4], [sflag:$0x1] =	stream.indirect.gather [spmem:s2], $0x40, s1, s18, $0xb8;
	[tilespmem:$0x154A0] =	vst v63  }
0xb6: {  	_ = 	snop  }
0xb7: {  	[tilespmem:s8], [sflag:$0x1] =	stream.indirect.gather [spmem:s2], $0x40, s7, s18, $0xb8;
	[tilespmem:$0x154A0] =	vst v63  }
0xb8: {  	_ =	swait.ge [sflag:s29], $0x2000  }
0xb9: {  	[sflag:s29] =	ssyncset.done $0x0  }
0xba: {  	[sflag:s29] =	ssyncadd.s32 $0xFFFFE000  }
0xbb: {  	_ =	swait.ge [sflag:s29], $0x2000  }
0xbc: {  	[sflag:s29] =	ssyncset.done $0x0  }
0xbd: {  	[sflag:s29] =	ssyncadd.s32 $0xFFFFE000  }
0xbe: {  	_ =	swait.ge [sflag:s29], $0x2000  }
0xbf: {  	[sflag:s29] =	ssyncset.done $0x0  }
0xc0: {  	[sflag:s29] =	ssyncadd.s32 $0xFFFFE000  }
0xc1: {  	_ =	swait.ge [sflag:s29], $0x2000  }
0xc2: {  	[sflag:s29] =	ssyncset.done $0x0  }
0xc3: {  	[sflag:s29] =	ssyncadd.s32 $0xFFFFE000  }
0xc4: {  	_ =	swait.ge [sflag:s29], $0x2000  }
0xc5: {  	s21 =	smov.u32 s12;
	s22 =	rddreg [dreg:$0x5];
	[sflag:s29] =	ssyncset.done $0x0  }
0xc6: {  	[sflag:s29] =	ssyncadd.s32 $0xFFFFE000;
	s22 =	sadd.s32 s21, s22  }
0xc7: {  	[hbm4b:s22+s30] =	stream.strided.scatter [tilespmem:s19], [sflag:$0x2], $0xA000, s18, s30, $0x38;
	[tilespmem:$0x154A0] =	vst v63  }
0xc8: {  	_ =	swait.ge [sflag:s13], $0xA000  }
0xc9: {  	p2 =	slt.s32 s0, s5;
	s22 =	smov.u32 s5;
	[sflag:s13] =	ssyncset.done $0x0  }
0xca: {  	s22 =	smov.u32 @p2 s0;
	[sflag:s13] =	ssyncadd.s32 $0xFFFF6000  }
0xcb: {  	s22 =	sshll.u32 s22, $0x4;
	_ =	swait.ge [sflag:s16], $0x280  }
0xcc: {  	s22 =	sand.u32 $0x1FFFFFF0, s22;
	[sflag:s16] =	ssyncset.done $0x0  }
0xcd: {  	s22 =	sadd.s32 s23, s22;
	[sflag:s16] =	ssyncadd.s32 $0xFFFFFD80  }
0xce: {  	[tilespmem:s15], [sflag:$0x4] =	stream.linear.gather [hbm4b:s22+s3], $0x280, $0x38;
	[tilespmem:$0x154A0] =	vst v63  }
0xcf: {  	_ = 	snop  }
0xd0: {  	[tilespmem:s31], [sflag:$0x1] =	stream.indirect.gather [spmem:s2], $0x40, s17, s18, $0xb8;
	[tilespmem:$0x154A0] =	vst v63  }
0xd1: {  	_ = 	snop  }
0xd2: {  	[tilespmem:s10], [sflag:$0x1] =	stream.indirect.gather [spmem:s2], $0x40, s9, s18, $0xb8;
	[tilespmem:$0x154A0] =	vst v63  }
0xd3: {  	_ = 	snop  }
0xd4: {  	[tilespmem:s6], [sflag:$0x1] =	stream.indirect.gather [spmem:s2], $0x40, s11, s18, $0xb8;
	[tilespmem:$0x154A0] =	vst v63  }
0xd5: {  	s22 =	simm.s32 $0x114A0  }
0xd6: {  	[tilespmem:s22], [sflag:$0x1] =	stream.indirect.gather [spmem:s2], $0x40, s25, s18, $0xb8;
	[tilespmem:$0x154A0] =	vst v63  }
0xd7: {  	s22 =	simm.s32 $0x1420  }
0xd8: {  	[tilespmem:s28], [sflag:$0x1] =	stream.indirect.gather [spmem:s2], $0x40, s22, s18, $0xb8;
	[tilespmem:$0x154A0] =	vst v63  }
0xd9: {  	_ =	swait.ge [sflag:s29], $0x2000  }
0xda: {  	[sflag:s29] =	ssyncset.done $0x0  }
0xdb: {  	[sflag:s29] =	ssyncadd.s32 $0xFFFFE000  }
0xdc: {  	_ =	swait.ge [sflag:s29], $0x2000  }
0xdd: {  	[sflag:s29] =	ssyncset.done $0x0  }
0xde: {  	[sflag:s29] =	ssyncadd.s32 $0xFFFFE000  }
0xdf: {  	_ =	swait.ge [sflag:s29], $0x2000  }
0xe0: {  	[sflag:s29] =	ssyncset.done $0x0  }
0xe1: {  	[sflag:s29] =	ssyncadd.s32 $0xFFFFE000  }
0xe2: {  	p1 =	sne.s32 s12, $0x186000;
	_ =	swait.ge [sflag:s29], $0x2000  }
.Ltmp0:
0xe3: {  	[sflag:s29] =	ssyncset.done $0x0;
	(pc) =	sbr.rel @p1 .LBB2_2-.Ltmp0, $4  }
0xe4: {  	[sflag:s29] =	ssyncadd.s32 $0xFFFFE000  }
0xe5: {  	s12 =	sadd.s32 $0x5000, s12;
	_ =	swait.ge [sflag:s29], $0x2000  }
0xe6: {  	s20 =	sadd.s32 $0xA0, s20;
	[sflag:s29] =	ssyncset.done $0x0;
	s22 =	rddreg [dreg:$0x4]  }
0xe7: {  	s0 =	sadd.s32 $0xA, s0;
	[sflag:s29] =	ssyncadd.s32 $0xFFFFE000;
	s21 =	sadd.s32 s21, s22  }
0xe8: {  	[hbm4b:s21+s30] =	stream.strided.scatter [tilespmem:s31], [sflag:$0x3], $0xA000, s18, s30, $0x38;
	[tilespmem:$0x154A0] =	vst v63  }
0xe9: {  	_ =	swait.ge [sflag:s16], $0x280  }
0xea: {  	[sflag:s16] =	ssyncset.done $0x0  }
0xeb: {  	[sflag:s16] =	ssyncadd.s32 $0xFFFFFD80  }
0xec: {  	_ =	swait.ge [sflag:s14], $0xA000  }
0xed: {  	[sflag:s14] =	ssyncset.done $0x0  }
0xee: {  	[sflag:s14] =	ssyncadd.s32 $0xFFFF6000  }
0xef: {  	_ =	swait.ge [sflag:s13], $0xA000  }
0xf0: {  	s12 =	rddreg [dreg:$0x10]  }
0xf1: {  	s0 =	rddreg [dreg:$0xc];
	s12 =	sadd.s32 $0x1, s12  }
0xf2: {  	s21 =	simm.s32 $0x1020;
	s22 =	simm.s32 $0x34A0;
	p1 =	sne.s32 s12, s0  }
.Ltmp1:
0xf3: {  	s24 =	simm.s32 $0x10A0;
	s25 =	simm.s32 $0x54A0;
	(pc) =	sbr.rel @p1 .LBB2_1-.Ltmp1, $4  }
0xf4: {  	s1 =	simm.s32 $0x1120;
	s4 =	simm.s32 $0x74A0;
	s7 =	simm.s32 $0x11A0  }
0xf5: {  	s8 =	simm.s32 $0x94A0;
	s9 =	simm.s32 $0x12A0;
	s10 =	simm.s32 $0xD4A0  }
0xf6: {  	s11 =	simm.s32 $0x1320;
	s6 =	simm.s32 $0xF4A0;
	[sflag:s13] =	ssyncset.done $0x0  }
0xf7: {  	s26 =	simm.s32 $0x13A0;
	s28 =	simm.s32 $0x114A0;
	[sflag:s13] =	ssyncadd.s32 $0xFFFF6000  }
0xf8: {  	_ =	sfence.sel $0x180000  }
0xf9: {  	[bflag:$0x0] =	sbarrier.arrive $0xFFFF  }
0xfa: {  	_ =	strace $0x90000047  }
0xfb: {  	[bflag:$0x2] =	sbarrier.arrive $0xFFFF  }
0xfc: {  	s0 =	rddreg [dreg:$0x3]  }
0xfd: {  	s0 =	sadd.s32 @!p0 $0x100000, s0  }
0xfe: {  	[sflag:s0] =	ssyncadd.tile.s32 @!p0 $0x1;
	_ =	shalt  }
.Lfunc_end2:
_tile_overlayer_lowered:
.L_overlay_start_2:
0xff: {  	(tag) =	ssettag $0x2  }
0x100: {  	s0 =	rddreg [dreg:$0x0];
	s2 =	stileid.u32  }
0x101: {  	s1 =	rddreg [dreg:$0x1];
	p0 =	sne.s32 s2, $0x0  }
0x102: {  	s3 =	rddreg [dreg:$0x2];
	[bflag:$0x3] =	sbarrier.arrive $0xFFFF;
	s2 =	simm.s32 @!p0 $0x1C05  }
0x103: {  	[timem:s3], [sflag:s2] =	dma.local @!p0 [hbm:s0], s1  }
0x104: {  	s0 =	simm.s32 @!p0 $0x5  }
0x105: {  	_ =	swait.ge @!p0 [sflag:s0], s1  }
0x106: {  	s1 =	ssub.s32 @!p0 $0x0, s1;
	[sflag:s0] =	ssyncset.done @!p0 $0x0  }
0x107: {  	[sflag:s0] =	ssyncadd.s32 @!p0 s1  }
0x108: {  	[bflag:$0x3] =	sbarrier.arrive $0xFFFF  }
0x109: {  	_ =	shalt  }

// kernel: sparse-core-data-format-call.cloned.1.call-start
scs
called_computation_lowered:
.L_overlay_start_0:
0x0: {  	s2 =	sld [smem:$0x3FD9]  }
0x1: {  	s3 =	sld [smem:$0x3FFE];
	_ =	sdelay $0x1  }
0x2: {  	s1 =	srdreg.scid  }
0x3: {  	s0 =	sand.u32 $0x1, s1  }
0x4: {  	s18 =	sshll.u32 s0, $0xA;
	s2 =	sadd.s32 s3, s2  }
0x5: {  	s2 =	sadd.s32 s2, s18  }
0x6: {  	[smem:$0x3FC6] =	sst s2  }
0x7: {  	_ = 	snop  }
0x8: {  	s2 =	sld [smem:$0x3FD0];
	(tm) =	ssettm $0x1  }
0x9: {  	s19 =	sld [smem:$0x3FFB];
	_ =	sdelay $0x3  }
0xa: {  	_ =	strace s19  }
0xb: {  	s3 =	sld [smem:$0x3FFC];
	_ =	sdelay $0x3  }
0xc: {  	_ =	strace s3  }
0xd: {  	s3 =	sld [smem:$0x3FFD];
	_ =	sdelay $0x3  }
0xe: {  	_ =	strace s3  }
0xf: {  	_ =	strace $0x8FFFFFFF  }
0x10: {  	s20 =	sld [smem:$0x3FDB];
	_ =	sdelay $0x1  }
0x11: {  	s4 =	simm.s32 $_scs_section_size  }
0x12: {  	s5 =	simm.s32 $_size__tile_overlayer_lowered;
	s6 =	simm.s32 $_tile_overlayer_lowered  }
0x13: {  	s23 =	simm.s32 $0x1BFF;
	s22 =	sshll.u32 s6, $0x1;
	s3 =	sadd.s32 s4, s20  }
0x14: {  	s7 =	simm.s32 $0x0;
	s21 =	sshll.u32 s5, $0x1;
	s5 =	sadd.s32 s22, s3  }
0x15: {  	[timem:s7], [sflag:s23] =	dma.local [hbm:s5], s21  }
0x16: {  	_ =	swait.ge [sflag:s23], s21  }
0x17: {  	s4 =	ssub.s32 $0x0, s21;
	[sflag:s23] =	ssyncset.done $0x0  }
0x18: {  	[sflag:s23] =	ssyncadd.s32 s4;
	_ =	sdelay $0x1  }
0x19: {  	s24 =	simm.s32 $0x1B8B  }
0x1a: {  	_ =	swait.ge [sflag:s24], $0x1  }
0x1b: {  	[sflag:s24] =	ssyncset.done $0x0  }
0x1c: {  	s26 =	simm.s32 $0x1B8E;
	s25 =	sld [smem:$0x3FFE];
	[sflag:s24] =	ssyncadd.s32 $0xFFFFFFFF  }
0x1d: {  	s27 =	simm.s32 $execute0_lowered;
	[smem:$0x3FD2] =	sst s26  }
0x1e: {  	s5 =	sshll.u32 s27, $0x1;
	_ =	strace $0x80000049;
	[dreg:$0x1] =	wrdreg $0xFFFFFFFF  }
0x1f: {  	s28 =	simm.s32 $_size_execute0_lowered;
	s3 =	sadd.s32 s3, s5;
	[dreg:$0x0] =	wrdreg $0x0  }
0x20: {  	s5 =	sshll.u32 s28, $0x1;
	[dreg:$0x2] =	wrdreg s3  }
0x21: {  	[dreg:$0x3] =	wrdreg s5  }
0x22: {  	[dreg:$0x4] =	wrdreg $0xC0  }
0x23: {  	_ =	task [dreg:s7], $0x5FFFF  }
0x24: {  	[dreg:$0x1] =	wrdreg $0xFFFFFFFF  }
0x25: {  	[dreg:$0x0] =	wrdreg $0x60  }
0x26: {  	[dreg:$0x2] =	wrdreg s25  }
0x27: {  	[dreg:$0x3] =	wrdreg s2  }
0x28: {  	[dreg:$0x4] =	wrdreg $0x9  }
0x29: {  	_ =	task.clear_ibuf [dreg:s7], $0x5FFFF;
	_ =	strace $0x90000049  }
0x2a: {  	s29 =	simm.s32 $0x9;
	_ =	strace $0x8000004B  }
0x2b: {  	_ =	swait.ge [sflag:s29], $0x1  }
0x2c: {  	[sflag:s29] =	ssyncadd.s32 $0xFFFFFFFF  }
0x2d: {  	_ =	strace $0x9000004B  }
0x2e: {  	_ =	sfence  }
0x2f: {  	s30 =	sld [smem:$0x0];
	_ =	sdelay $0x2  }
0x30: {  	s31 =	sshll.u32 s1, $0xD;
	s1 =	sshrl.u32 s1, $0x2  }
0x31: {  	s3 =	sand.u32 $0x4000, s31;
	s1 =	sadd.s32 s1, s30  }
0x32: {  	s0 =	sor.u32 s3, s0;
	s1 =	sshll.u32 s1, $0x11  }
0x33: {  	s0 =	sor.u32 s1, s0  }
0x34: {  	s0 =	sadd.s32 $0x8F2B, s0  }
0x35: {  	[sflag:s0] =	ssyncadd.remote.s32 $0x1  }
0x36: {  	_ =	sfence.sel $0xFFFF  }
0x37: {  	[dreg:$0x0] =	wrdreg $0xFFFFFFFF;
	(pc) =	sbr.abs _section_cstart, $3  }
0x38: {  	[dreg:$0x1] =	wrdreg $0xFFFFFFFF  }
0x39: {  	_ =	task.clear_ibuf [dreg:s7], $0x2FFFF;
	_ =	strace $0x9FFFFFFF  }
0x3a: {  	(tm) =	ssettm $0x7FFFFFFF  }
0x3b: {  	_ =	shalt  }
tec
execute0_lowered:
.L_overlay_start_1:
0x0: {  	(tag) =	ssettag $0x1  }
0x1: {  	s0 =	srdreg.scid  }
0x2: {  	s1 =	sshll.u32 s0, $0x4  }
0x3: {  	s0 =	stileid.u32;
	s1 =	sand.u32 $0x10, s1  }
0x4: {  	s1 =	sor.u32 s0, s1  }
0x5: {  	s6 =	rddreg [dreg:$0x0];
	s4 =	simm.s32 $0x1;
	s2 =	sshll.u32 s1, $0x7  }
0x6: {  	s7 =	simm.s32 $0x2;
	s12 =	simm.s32 $0x0;
	s1 =	ssub.s32 $0x4000, s2  }
0x7: {  	s8 =	simm.s32 $0x20000;
	s13 =	simm.s32 $0x0;
	s3 =	sand.u32 $0xF80, s1  }
0x8: {  	s9 =	simm.s32 $0x0;
	s5 =	sshrl.u32 s1, $0xC;
	p0 =	sne.s32 s3, $0x0  }
.Ltmp0:
0x9: {  	s1 =	rddreg [dreg:$0x2];
	s4 =	simm.s32 @!p0 $0x0;
	(pc) =	sbr.rel .LBB1_1-.Ltmp0, $4  }
0xa: {  	s11 =	simm.s32 $0x0;
	s3 =	rddreg [dreg:$0x1];
	s5 =	sadd.s32 s4, s5  }
0xb: {  	_ =	strace $0x8000004A;
	s4 =	simm.s32 $0x1;
	s5 =	smul.u32 $0xC8, s5  }
0xc: {  	s6 =	sadd.s32 $0x2800, s6;
	s10 =	smov.u32 s2;
	[sflag:s4] =	ssyncpa.u1 $0x0  }
0xd: {  	p0 =	por $0x0, $0x0;
	[sflag:s7] =	ssyncpa.u1 $0x0;
	s7 =	sor.u32 $0x1, s5  }
.LBB1_4:
0xe: {  	s16 =	sshll.u32 s13, $0x3;
	s17 =	sand.u32 $0x78, s13  }
0xf: {  	s30 =	sand.u32 $0x1F800, s13;
	s12 =	sshll.u32 s12, $0x11;
	s16 =	sand.u32 $0x3C00, s16  }
0x10: {  	[tilespmem:s15+$0x810 ss:$0x81] =	vst.msk $0xffff, v2;
	s31 =	sand.u32 $0x7, s13;
	s16 =	sor.u32 s17, s16;
	s17 =	sadd.s32 s3, s30  }
0x11: {  	[tilespmem:s15+$0x1020 ss:$0x81] =	vst.msk $0xffff, v0;
	s13 =	sshll.u32 s31, $0x12;
	s12 =	sadd.s32 s12, s17;
	s16 =	sshrl.u32 s16, $0x3  }
0x12: {  	[tilespmem:s15+$0x0 ss:$0x81] =	vst.msk $0xffff, v1;
	s13 =	sor.u32 $0x400, s13;
	s12 =	sadd.s32 s16, s12  }
0x13: {  	[hbm4b:s12+s13] =	stream.strided.scatter [tilespmem:s14], [sflag:$0x2], $0x2000, s8, s13, $0x20;
	[tilespmem:$0x8080] =	vst v63  }
.LBB1_5:
0x14: {  	s14 =	sadd.s32 $0x1, s9  }
0x15: {  	s12 =	sadd.s32 $0x1000, s10;
	s16 =	smov.u32 s10;
	p2 =	sgt.s32 s14, $0xC7  }
0x16: {  	s16 =	smov.u32 @p2 s12  }
0x17: {  	s14 =	simm.s32 @p2 $0x0;
	p2 =	sgt.s32 s16, $0x3FFF  }
0x18: {  	s16 =	smov.u32 @p2 s2;
	p2 =	sne.s32 s11, s7  }
.Ltmp1:
0x19: {  	p1 =	slt.u32 s11, $0x2;
	(pc) =	sbr.rel @!p2 .LBB1_6-.Ltmp1, $4  }
0x1a: {  	s15 =	simm.s32 @!p1 $0x2  }
0x1b: {  	s13 =	smov.u32 s10;
	p0 =	por !p0, !p0;
	_ =	swait.ge @!p1 [sflag:s15], $0x2000  }
0x1c: {  	s12 =	smov.u32 s9;
	[sflag:s15] =	ssyncset.done @!p1 $0x0;
	s9 =	smov.u32 s14  }
0x1d: {  	s11 =	sadd.s32 $0x1, s11;
	[sflag:s15] =	ssyncadd.s32 @!p1 $0xFFFFE000;
	s10 =	smov.u32 s16  }
.LBB1_1:
0x1e: {  	p1 =	sge.u32 s11, s5  }
0x1f: {  	s14 =	sand.u32 @!p1 $0x1FFFFFF, s9  }
0x20: {  	s15 =	smulhi.u32 @!p1 $0x147AE15, s14;
	_ =	sdelay $0x1  }
0x21: {  	s15 =	smul.u32 @!p1 $0xC8, s15  }
0x22: {  	s16 =	sxor.u32 @!p1 $0xFFFFFFFF, s11;
	s17 =	smul.u32 @!p1 $0xC80, s10  }
0x23: {  	s31 =	sadd.s32 $0xFFFFFFFF, s11;
	s16 =	sshll.u32 @!p1 s16, $0xD;
	s14 =	ssub.s32 @!p1 s14, s15  }
0x24: {  	s15 =	sand.u32 @!p1 $0x2000, s16;
	s16 =	sadd.s32 @!p1 s6, s17;
	s14 =	sshll.u32 @!p1 s14, $0x4  }
0x25: {  	s17 =	simm.s32 @!p1 $0x6400;
	s14 =	sadd.s32 @!p1 s14, s16;
	s16 =	simm.s32 @!p1 $0x40  }
0x26: {  	[tilespmem:s15], [sflag:$0x1] =	stream.strided.gather @!p1 [hbm4b:s14+s16], $0x2000, s17, s16, $0x38;
	[tilespmem:$0x8080] =	vst v63  }
0x27: {  	p1 =	sge.u32 s31, s5  }
.Ltmp2:
0x28: {  	_ = 	snop;
	(pc) =	sbr.rel @p1 .LBB1_5-.Ltmp2, $1  }
0x29: {  	_ =	sdelay $0x3  }
0x2a: {  	s14 =	simm.s32 $0x1  }
0x2b: {  	_ =	swait.ge [sflag:s4], $0x2000;
	s14 =	simm.s32 @!p0 $0x0  }
0x2c: {  	[sflag:s4] =	ssyncset.done $0x0;
	s15 =	sshll.u32 s14, $0xD  }
0x2d: {  	[sflag:s4] =	ssyncadd.s32 $0xFFFFE000;
	s18 =	sor.u32 $0x20, s15  }
0x2e: {  	s14 =	smul.u32 $0x8100, s14;
	v3 =	vld [tilespmem:s18+$0x10]  }
0x2f: {  	s30 =	sand.u32 $0x1, s11;
	v2 =	vld [tilespmem:s18+$0xFFFFFFF0]  }
0x30: {  	s15 =	smul.u32 $0x8100, s30;
	s14 =	sshrl.u32 s14, $0x2;
	v0 =	vld [tilespmem:s18+$0x0]  }
0x31: {  	v1 =	vld [tilespmem:s18+$0xFFFFFFE0];
	s16 =	sor.u32 $0x4000, s14  }
0x32: {  	s31 =	sshrl.u32 s15, $0x2;
	s15 =	sadd.s32 $0x0, s16  }
0x33: {  	s17 =	simm.s32 $0x4;
	s18 =	sadd.s32 $0x40, s18;
	s14 =	sor.u32 $0x4000, s31;
	[tilespmem:s15+$0x1830 ss:$0x81] =	vst.msk $0xffff, v3  }
.LBB1_3:
0x34: {  	v3 =	vld [tilespmem:s18+$0x10];
	p1 =	sne.s32 s17, $0x1FC;
	[tilespmem:s15+$0x810 ss:$0x81] =	vst.msk $0xffff, v2;
	s19 =	smov.u32 s17;
	s17 =	sadd.s32 $0x4, s17  }
.Ltmp3:
0x35: {  	v2 =	vld [tilespmem:s18+$0xFFFFFFF0];
	[tilespmem:s15+$0x1020 ss:$0x81] =	vst.msk $0xffff, v0;
	(pc) =	sbr.rel @p1 .LBB1_3-.Ltmp3, $4  }
0x36: {  	v0 =	vld [tilespmem:s18+$0x0];
	[tilespmem:s15+$0x0 ss:$0x81] =	vst.msk $0xffff, v1  }
0x37: {  	s15 =	sshra.s32 s19, $0x2;
	v1 =	vld [tilespmem:s18+$0xFFFFFFE0]  }
0x38: {  	s15 =	sadd.s32 s15, s16  }
0x39: {  	s18 =	sadd.s32 $0x40, s18;
	[tilespmem:s15+$0x1830 ss:$0x81] =	vst.msk $0xffff, v3  }
.Ltmp4:
0x3a: {  	_ = 	snop;
	(pc) =	sbr.rel .LBB1_4-.Ltmp4, $1  }
0x3b: {  	_ =	sdelay $0x3  }
.LBB1_6:
0x3c: {  	_ =	sfence.sel $0x180000  }
0x3d: {  	s2 =	simm.s32 $0x1;
	[bflag:$0x0] =	sbarrier.arrive $0xFFFF  }
0x3e: {  	s31 =	simm.s32 $0x2;
	[sflag:s2] =	ssyncpa.u1 $0x1  }
0x3f: {  	[sflag:s31] =	ssyncpa.u1 $0x1  }
0x40: {  	p0 =	sne.s32 s0, $0x0;
	_ =	strace $0x9000004A  }
0x41: {  	s0 =	sadd.s32 @!p0 $0x100000, s1;
	[bflag:$0x2] =	sbarrier.arrive $0xFFFF  }
0x42: {  	[sflag:s0] =	ssyncadd.tile.s32 @!p0 $0x1;
	_ =	shalt  }
.Lfunc_end1:
_tile_overlayer_lowered:
.L_overlay_start_2:
0x43: {  	(tag) =	ssettag $0x2  }
0x44: {  	s0 =	rddreg [dreg:$0x0];
	s2 =	stileid.u32  }
0x45: {  	s1 =	rddreg [dreg:$0x1];
	p0 =	sne.s32 s2, $0x0  }
0x46: {  	s3 =	rddreg [dreg:$0x2];
	[bflag:$0x3] =	sbarrier.arrive $0xFFFF;
	s2 =	simm.s32 @!p0 $0x1C01  }
0x47: {  	[timem:s3], [sflag:s2] =	dma.local @!p0 [hbm:s0], s1  }
0x48: {  	s0 =	simm.s32 @!p0 $0x1  }
0x49: {  	_ =	swait.ge @!p0 [sflag:s0], s1  }
0x4a: {  	s1 =	ssub.s32 @!p0 $0x0, s1;
	[sflag:s0] =	ssyncset.done @!p0 $0x0  }
0x4b: {  	[sflag:s0] =	ssyncadd.s32 @!p0 s1  }
0x4c: {  	[bflag:$0x3] =	sbarrier.arrive $0xFFFF  }
0x4d: {  	_ =	shalt  }

</sc_bundles>
